<compile_context>
chip_gen: v7x
topology: tpu7x:2x2x1
jax: 0.10.2.dev20260603
libtpu: 0.0.44.dev20260713+nightly
codegen_flags: <defaults>
</compile_context>

<pallas_src>
import jax
import jax.numpy as jnp
from jax import lax
from jax.experimental import pallas as pl
from jax.experimental.pallas import tpu as pltpu
from jax.experimental.pallas import tpu_sc as plsc

N_CAND = 1024
SEQ = 128
D = 256
NUM_FEAT = 32

_INFO = plsc.get_sparse_core_info()
_NC = _INFO.num_cores
_NS = _INFO.num_subcores
_NW = _NC * _NS
_BPW = N_CAND // _NW
_L = 16

_BL_COLS = (1, 2, 4, 5)
_AT_COLS = (0, 3)
_GATHER_W = (len(_BL_COLS) + len(_AT_COLS)) * D


def _body(bl_hbm, at_hbm, ct_hbm, nf_hbm, out_hbm,
          c_v, bl_idx, at_idx, bl_buf, at_buf, nf_v, csem, gsem, wsem):
  wid = lax.axis_index("s") * _NC + lax.axis_index("c")
  base = wid * _BPW

  ccopies = []
  for f, col in enumerate(_BL_COLS + _AT_COLS):
    ccopies.append(pltpu.async_copy(
        ct_hbm.at[pl.ds(col * N_CAND + base, _BPW)], c_v[f], csem))
  for cc in ccopies:
    cc.wait()

  lanes = lax.iota(jnp.int32, _L)
  for f, _col in enumerate(_BL_COLS):
    for h in range(_BPW // _L):
      rows16 = lanes + (h * _L)
      cvals = c_v[f][pl.ds(h * _L, _L)]
      bl_idx[pl.ds(f * _BPW + h * _L, _L)] = (base + rows16) * SEQ + cvals
  for f, _col in enumerate(_AT_COLS):
    for h in range(_BPW // _L):
      rows16 = lanes + (h * _L)
      cvals = c_v[len(_BL_COLS) + f][pl.ds(h * _L, _L)]
      at_idx[pl.ds(f * _BPW + h * _L, _L)] = (
          (cvals + 2) * N_CAND + base + rows16)

  blc = pltpu.async_copy(bl_hbm.at[bl_idx], bl_buf, gsem)
  atc = pltpu.async_copy(at_hbm.at[at_idx], at_buf, gsem)

  pltpu.sync_copy(nf_hbm.at[pl.ds(base, _BPW)], nf_v)
  pltpu.sync_copy(
      nf_v, out_hbm.at[pl.ds(base, _BPW), pl.ds(len(_BL_COLS + _AT_COLS) * D,
                                                NUM_FEAT)])

  wcopies = []
  blc.wait()
  for f in range(len(_BL_COLS)):
    wcopies.append(pltpu.async_copy(
        bl_buf.at[pl.ds(f * _BPW, _BPW)],
        out_hbm.at[pl.ds(base, _BPW), pl.ds(f * D, D)], wsem))
  atc.wait()
  for f in range(len(_AT_COLS)):
    wcopies.append(pltpu.async_copy(
        at_buf.at[pl.ds(f * _BPW, _BPW)],
        out_hbm.at[pl.ds(base, _BPW), pl.ds((len(_BL_COLS) + f) * D, D)],
        wsem))
  for wc in wcopies:
    wc.wait()


@jax.jit
def _run(bl_flat, at_flat, cflat, nf):
  mesh = plsc.VectorSubcoreMesh(core_axis_name="c", subcore_axis_name="s")
  nbl = len(_BL_COLS) * _BPW
  nat = len(_AT_COLS) * _BPW
  scratch = [
      [pltpu.VMEM((_BPW,), jnp.int32) for _ in range(6)],
      pltpu.VMEM((nbl,), jnp.int32),
      pltpu.VMEM((nat,), jnp.int32),
      pltpu.VMEM((nbl, D), jnp.float32),
      pltpu.VMEM((nat, D), jnp.float32),
      pltpu.VMEM((_BPW, NUM_FEAT), jnp.float32),
      pltpu.SemaphoreType.DMA,
      pltpu.SemaphoreType.DMA,
      pltpu.SemaphoreType.DMA,
  ]
  fn = pl.kernel(
      _body,
      out_type=jax.ShapeDtypeStruct((N_CAND, _GATHER_W + NUM_FEAT),
                                    jnp.float32),
      mesh=mesh,
      scratch_types=scratch,
  )
  return fn(bl_flat, at_flat, cflat, nf)


def kernel(candidates, candidate_numeric_features, stacked_bi_lstm_output,
           stacked_attended_nodes):
  cflat = candidates[0].T.reshape(6 * N_CAND)
  nf = candidate_numeric_features[0]
  bl_flat = stacked_bi_lstm_output.reshape(N_CAND * SEQ, D)
  at_flat = stacked_attended_nodes[0].transpose(1, 0, 2).reshape(
      (SEQ + 2) * N_CAND, D)
  return _run(bl_flat, at_flat, cflat, nf)[None]

# --- scband reference (transcript-rebuilt; emitter-appended) ---
"""Pipeline reference for scband-feature-layer-79723182948737 (READ-ONLY COPY).

The authoritative reference and input builder live on the scoring server;
editing this copy changes nothing except your own understanding.
"""

import jax, jax.numpy as jnp
import numpy as np

N_CAND = 1024
SEQ = 128
D = 256
NUM_FEAT = 32


def setup_inputs(seed: int = 0) -> dict:
    key = jax.random.key(seed)
    k1, k2, k3, k4 = jax.random.split(key, 4)
    candidates = jax.random.randint(k1, (1, N_CAND, 6), 0, SEQ).astype(jnp.int32)
    candidate_numeric_features = jax.random.normal(k2, (1, N_CAND, NUM_FEAT), dtype=jnp.float32)
    stacked_bi_lstm_output = jax.random.normal(k3, (1, N_CAND, SEQ, D), dtype=jnp.float32)
    stacked_attended_nodes = jax.random.normal(k4, (1, N_CAND, SEQ + 2, D), dtype=jnp.float32)
    return {
        "candidates": candidates,
        "candidate_numeric_features": candidate_numeric_features,
        "stacked_bi_lstm_output": stacked_bi_lstm_output,
        "stacked_attended_nodes": stacked_attended_nodes,
    }


def reference(candidates, candidate_numeric_features, stacked_bi_lstm_output, stacked_attended_nodes):
    # Layer only processes batch element 0 (matches the keras call()).
    c = candidates[0]                      # [N, 6] int
    nf = candidate_numeric_features[0]     # [N, NUM_FEAT]
    bl = stacked_bi_lstm_output[0]         # [N, SEQ, D]
    at = stacked_attended_nodes[0]         # [N, SEQ+2, D]
    n = c.shape[0]
    rows = jnp.arange(n)
    # per-candidate gathers from that candidate's own bi-LSTM / attended slices
    f1 = bl[rows, c[:, 1]]
    f2 = bl[rows, c[:, 2]]
    f3 = bl[rows, c[:, 4]]
    f4 = bl[rows, c[:, 5]]
    parent_attended = at[rows, c[:, 0] + 2]
    child_attended = at[rows, c[:, 3] + 2]
    feats = jnp.concatenate([f1, f2, f3, f4, parent_attended, child_attended, nf], axis=1)
    return jnp.expand_dims(feats, axis=0)  # [1, N, 6*D + NUM_FEAT]

if __name__ == "__main__":
    import jax
    _d = setup_inputs()
    print(jax.jit(kernel)(*tuple(_d.values())))

</pallas_src>

<mosaic_0001>
#map = affine_map<(d0, d1) -> (0, 0)>
#map1 = affine_map<(d0, d1) -> (0)>
module attributes {stable_mosaic.version = 14 : i64} {
  func.func @_body(%arg0: i32, %arg1: i32, %arg2: memref<131072x256xf32, #tpu.memory_space<hbm>>, %arg3: memref<133120x256xf32, #tpu.memory_space<hbm>>, %arg4: memref<6144xi32, #tpu.memory_space<hbm>>, %arg5: memref<1024x32xf32, #tpu.memory_space<hbm>>, %arg6: memref<1024x1568xf32, #tpu.memory_space<hbm>>, %arg7: memref<32xi32, #tpu.memory_space<vmem>>, %arg8: memref<32xi32, #tpu.memory_space<vmem>>, %arg9: memref<32xi32, #tpu.memory_space<vmem>>, %arg10: memref<32xi32, #tpu.memory_space<vmem>>, %arg11: memref<32xi32, #tpu.memory_space<vmem>>, %arg12: memref<32xi32, #tpu.memory_space<vmem>>, %arg13: memref<128xi32, #tpu.memory_space<vmem>>, %arg14: memref<64xi32, #tpu.memory_space<vmem>>, %arg15: memref<128x256xf32, #tpu.memory_space<vmem>>, %arg16: memref<64x256xf32, #tpu.memory_space<vmem>>, %arg17: memref<32x32xf32, #tpu.memory_space<vmem>>, %arg18: memref<!tpu.dma_semaphore, #tpu.memory_space<semaphore_mem>>, %arg19: memref<!tpu.dma_semaphore, #tpu.memory_space<semaphore_mem>>, %arg20: memref<!tpu.dma_semaphore, #tpu.memory_space<semaphore_mem>>) attributes {dimension_semantics = [#tpu.dimension_semantics<core_parallel>, #tpu.dimension_semantics<subcore_parallel>], iteration_bounds = array<i64: 2, 16>, scalar_prefetch = 0 : i64, scratch_operands = 14 : i64, tpu.core_type = #tpu.core_type<sc_vector_subcore>, window_params = [{transform_indices = #map}, {transform_indices = #map}, {transform_indices = #map1}, {transform_indices = #map}, {transform_indices = #map}]} {
    %mul3A = arith.constant 2 : i32
    %mul3A_0 = arith.muli %arg1, %mul3A : i32
    %add3A = arith.addi %mul3A_0, %arg0 : i32
    %mul3A_1 = arith.constant 32 : i32
    %mul3A_2 = arith.muli %add3A, %mul3A_1 : i32
    %add3A_3 = arith.constant 1024 : i32
    %add3A_4 = arith.addi %add3A_3, %mul3A_2 : i32
    %dma_start3A = tpu.memref_slice %arg4[%add3A_4] : memref<6144xi32, #tpu.memory_space<hbm>> -> memref<32xi32, #tpu.memory_space<hbm>>
    %dma_start3A_5 = tpu.memref_slice %arg4[%add3A_4] : memref<6144xi32, #tpu.memory_space<hbm>> -> memref<32xi32, #tpu.memory_space<hbm>>
    tpu.enqueue_dma source(%dma_start3A_5 : memref<32xi32, #tpu.memory_space<hbm>>) target(%arg7 : memref<32xi32, #tpu.memory_space<vmem>>) target_semaphore(%arg18 : memref<!tpu.dma_semaphore, #tpu.memory_space<semaphore_mem>>)
    %add3A_6 = arith.constant 2048 : i32
    %add3A_7 = arith.addi %add3A_6, %mul3A_2 : i32
    %dma_start3A_8 = tpu.memref_slice %arg4[%add3A_7] : memref<6144xi32, #tpu.memory_space<hbm>> -> memref<32xi32, #tpu.memory_space<hbm>>
    %dma_start3A_9 = tpu.memref_slice %arg4[%add3A_7] : memref<6144xi32, #tpu.memory_space<hbm>> -> memref<32xi32, #tpu.memory_space<hbm>>
    tpu.enqueue_dma source(%dma_start3A_9 : memref<32xi32, #tpu.memory_space<hbm>>) target(%arg8 : memref<32xi32, #tpu.memory_space<vmem>>) target_semaphore(%arg18 : memref<!tpu.dma_semaphore, #tpu.memory_space<semaphore_mem>>)
    %add3A_10 = arith.constant 4096 : i32
    %add3A_11 = arith.addi %add3A_10, %mul3A_2 : i32
    %dma_start3A_12 = tpu.memref_slice %arg4[%add3A_11] : memref<6144xi32, #tpu.memory_space<hbm>> -> memref<32xi32, #tpu.memory_space<hbm>>
    %dma_start3A_13 = tpu.memref_slice %arg4[%add3A_11] : memref<6144xi32, #tpu.memory_space<hbm>> -> memref<32xi32, #tpu.memory_space<hbm>>
    tpu.enqueue_dma source(%dma_start3A_13 : memref<32xi32, #tpu.memory_space<hbm>>) target(%arg9 : memref<32xi32, #tpu.memory_space<vmem>>) target_semaphore(%arg18 : memref<!tpu.dma_semaphore, #tpu.memory_space<semaphore_mem>>)
    %add3A_14 = arith.constant 5120 : i32
    %add3A_15 = arith.addi %add3A_14, %mul3A_2 : i32
    %dma_start3A_16 = tpu.memref_slice %arg4[%add3A_15] : memref<6144xi32, #tpu.memory_space<hbm>> -> memref<32xi32, #tpu.memory_space<hbm>>
    %dma_start3A_17 = tpu.memref_slice %arg4[%add3A_15] : memref<6144xi32, #tpu.memory_space<hbm>> -> memref<32xi32, #tpu.memory_space<hbm>>
    tpu.enqueue_dma source(%dma_start3A_17 : memref<32xi32, #tpu.memory_space<hbm>>) target(%arg10 : memref<32xi32, #tpu.memory_space<vmem>>) target_semaphore(%arg18 : memref<!tpu.dma_semaphore, #tpu.memory_space<semaphore_mem>>)
    %add3A_18 = arith.constant 0 : i32
    %add3A_19 = arith.addi %add3A_18, %mul3A_2 : i32
    %dma_start3A_20 = tpu.memref_slice %arg4[%add3A_19] : memref<6144xi32, #tpu.memory_space<hbm>> -> memref<32xi32, #tpu.memory_space<hbm>>
    %dma_start3A_21 = tpu.memref_slice %arg4[%add3A_19] : memref<6144xi32, #tpu.memory_space<hbm>> -> memref<32xi32, #tpu.memory_space<hbm>>
    tpu.enqueue_dma source(%dma_start3A_21 : memref<32xi32, #tpu.memory_space<hbm>>) target(%arg11 : memref<32xi32, #tpu.memory_space<vmem>>) target_semaphore(%arg18 : memref<!tpu.dma_semaphore, #tpu.memory_space<semaphore_mem>>)
    %add3A_22 = arith.constant 3072 : i32
    %add3A_23 = arith.addi %add3A_22, %mul3A_2 : i32
    %dma_start3A_24 = tpu.memref_slice %arg4[%add3A_23] : memref<6144xi32, #tpu.memory_space<hbm>> -> memref<32xi32, #tpu.memory_space<hbm>>
    %dma_start3A_25 = tpu.memref_slice %arg4[%add3A_23] : memref<6144xi32, #tpu.memory_space<hbm>> -> memref<32xi32, #tpu.memory_space<hbm>>
    tpu.enqueue_dma source(%dma_start3A_25 : memref<32xi32, #tpu.memory_space<hbm>>) target(%arg12 : memref<32xi32, #tpu.memory_space<vmem>>) target_semaphore(%arg18 : memref<!tpu.dma_semaphore, #tpu.memory_space<semaphore_mem>>)
    %dma_wait3A = tpu.memref_slice %arg4[%add3A_4] : memref<6144xi32, #tpu.memory_space<hbm>> -> memref<32xi32, #tpu.memory_space<hbm>>
    %dma_wait3A_26 = tpu.memref_slice %arg4[%add3A_4] : memref<6144xi32, #tpu.memory_space<hbm>> -> memref<32xi32, #tpu.memory_space<hbm>>
    tpu.wait_dma2 semaphore(%arg18 : memref<!tpu.dma_semaphore, #tpu.memory_space<semaphore_mem>>) src(%dma_wait3A_26 : memref<32xi32, #tpu.memory_space<hbm>>) dst(%arg7 : memref<32xi32, #tpu.memory_space<vmem>>)
    %dma_wait3A_27 = tpu.memref_slice %arg4[%add3A_7] : memref<6144xi32, #tpu.memory_space<hbm>> -> memref<32xi32, #tpu.memory_space<hbm>>
    %dma_wait3A_28 = tpu.memref_slice %arg4[%add3A_7] : memref<6144xi32, #tpu.memory_space<hbm>> -> memref<32xi32, #tpu.memory_space<hbm>>
    tpu.wait_dma2 semaphore(%arg18 : memref<!tpu.dma_semaphore, #tpu.memory_space<semaphore_mem>>) src(%dma_wait3A_28 : memref<32xi32, #tpu.memory_space<hbm>>) dst(%arg8 : memref<32xi32, #tpu.memory_space<vmem>>)
    %dma_wait3A_29 = tpu.memref_slice %arg4[%add3A_11] : memref<6144xi32, #tpu.memory_space<hbm>> -> memref<32xi32, #tpu.memory_space<hbm>>
    %dma_wait3A_30 = tpu.memref_slice %arg4[%add3A_11] : memref<6144xi32, #tpu.memory_space<hbm>> -> memref<32xi32, #tpu.memory_space<hbm>>
    tpu.wait_dma2 semaphore(%arg18 : memref<!tpu.dma_semaphore, #tpu.memory_space<semaphore_mem>>) src(%dma_wait3A_30 : memref<32xi32, #tpu.memory_space<hbm>>) dst(%arg9 : memref<32xi32, #tpu.memory_space<vmem>>)
    %dma_wait3A_31 = tpu.memref_slice %arg4[%add3A_15] : memref<6144xi32, #tpu.memory_space<hbm>> -> memref<32xi32, #tpu.memory_space<hbm>>
    %dma_wait3A_32 = tpu.memref_slice %arg4[%add3A_15] : memref<6144xi32, #tpu.memory_space<hbm>> -> memref<32xi32, #tpu.memory_space<hbm>>
    tpu.wait_dma2 semaphore(%arg18 : memref<!tpu.dma_semaphore, #tpu.memory_space<semaphore_mem>>) src(%dma_wait3A_32 : memref<32xi32, #tpu.memory_space<hbm>>) dst(%arg10 : memref<32xi32, #tpu.memory_space<vmem>>)
    %dma_wait3A_33 = tpu.memref_slice %arg4[%add3A_19] : memref<6144xi32, #tpu.memory_space<hbm>> -> memref<32xi32, #tpu.memory_space<hbm>>
    %dma_wait3A_34 = tpu.memref_slice %arg4[%add3A_19] : memref<6144xi32, #tpu.memory_space<hbm>> -> memref<32xi32, #tpu.memory_space<hbm>>
    tpu.wait_dma2 semaphore(%arg18 : memref<!tpu.dma_semaphore, #tpu.memory_space<semaphore_mem>>) src(%dma_wait3A_34 : memref<32xi32, #tpu.memory_space<hbm>>) dst(%arg11 : memref<32xi32, #tpu.memory_space<vmem>>)
    %dma_wait3A_35 = tpu.memref_slice %arg4[%add3A_23] : memref<6144xi32, #tpu.memory_space<hbm>> -> memref<32xi32, #tpu.memory_space<hbm>>
    %dma_wait3A_36 = tpu.memref_slice %arg4[%add3A_23] : memref<6144xi32, #tpu.memory_space<hbm>> -> memref<32xi32, #tpu.memory_space<hbm>>
    tpu.wait_dma2 semaphore(%arg18 : memref<!tpu.dma_semaphore, #tpu.memory_space<semaphore_mem>>) src(%dma_wait3A_36 : memref<32xi32, #tpu.memory_space<hbm>>) dst(%arg12 : memref<32xi32, #tpu.memory_space<vmem>>)
    %iota3A = tpu.iota {dimensions = array<i32: 0>} : vector<16xi32>
    %add3A_37 = arith.constant 0 : i32
    %add3A_38 = vector.broadcast %add3A_37 : i32 to vector<16xi32>
    %add3A_39 = arith.addi %iota3A, %add3A_38 : vector<16xi32>
    %get3A = arith.constant 0 : index
    %get3A_40 = tpu.vector_load %arg7[%get3A] {strides = array<i32>} : memref<32xi32, #tpu.memory_space<vmem>>, vector<16xi32>,
    %get3A_41 = vector.shape_cast %get3A_40 : vector<16xi32> to vector<16xi32>
    %add3A_42 = vector.broadcast %mul3A_2 : i32 to vector<16xi32>
    %add3A_43 = arith.addi %add3A_42, %add3A_39 : vector<16xi32>
    %mul3A_44 = arith.constant 128 : i32
    %mul3A_45 = vector.broadcast %mul3A_44 : i32 to vector<16xi32>
    %mul3A_46 = arith.muli %add3A_43, %mul3A_45 : vector<16xi32>
    %add3A_47 = arith.addi %mul3A_46, %get3A_41 : vector<16xi32>
    %swap3A = arith.constant 0 : index
    %swap3A_48 = tpu.vector_load %arg13[%swap3A] {strides = array<i32>} : memref<128xi32, #tpu.memory_space<vmem>>, vector<16xi32>,
    %swap3A_49 = vector.shape_cast %swap3A_48 : vector<16xi32> to vector<16xi32>
    %swap3A_50 = vector.shape_cast %add3A_47 : vector<16xi32> to vector<16xi32>
    tpu.vector_store %arg13[%swap3A], %swap3A_50 {strides = array<i32>} : memref<128xi32, #tpu.memory_space<vmem>>, vector<16xi32>,
    %add3A_51 = arith.constant 16 : i32
    %add3A_52 = vector.broadcast %add3A_51 : i32 to vector<16xi32>
    %add3A_53 = arith.addi %iota3A, %add3A_52 : vector<16xi32>
    %get3A_54 = arith.constant 16 : index
    %get3A_55 = tpu.vector_load %arg7[%get3A_54] {strides = array<i32>} : memref<32xi32, #tpu.memory_space<vmem>>, vector<16xi32>,
    %get3A_56 = vector.shape_cast %get3A_55 : vector<16xi32> to vector<16xi32>
    %add3A_57 = vector.broadcast %mul3A_2 : i32 to vector<16xi32>
    %add3A_58 = arith.addi %add3A_57, %add3A_53 : vector<16xi32>
    %mul3A_59 = arith.constant 128 : i32
    %mul3A_60 = vector.broadcast %mul3A_59 : i32 to vector<16xi32>
    %mul3A_61 = arith.muli %add3A_58, %mul3A_60 : vector<16xi32>
    %add3A_62 = arith.addi %mul3A_61, %get3A_56 : vector<16xi32>
    %swap3A_63 = arith.constant 16 : index
    %swap3A_64 = tpu.vector_load %arg13[%swap3A_63] {strides = array<i32>} : memref<128xi32, #tpu.memory_space<vmem>>, vector<16xi32>,
    %swap3A_65 = vector.shape_cast %swap3A_64 : vector<16xi32> to vector<16xi32>
    %swap3A_66 = vector.shape_cast %add3A_62 : vector<16xi32> to vector<16xi32>
    tpu.vector_store %arg13[%swap3A_63], %swap3A_66 {strides = array<i32>} : memref<128xi32, #tpu.memory_space<vmem>>, vector<16xi32>,
    %add3A_67 = arith.constant 0 : i32
    %add3A_68 = vector.broadcast %add3A_67 : i32 to vector<16xi32>
    %add3A_69 = arith.addi %iota3A, %add3A_68 : vector<16xi32>
    %get3A_70 = arith.constant 0 : index
    %get3A_71 = tpu.vector_load %arg8[%get3A_70] {strides = array<i32>} : memref<32xi32, #tpu.memory_space<vmem>>, vector<16xi32>,
    %get3A_72 = vector.shape_cast %get3A_71 : vector<16xi32> to vector<16xi32>
    %add3A_73 = vector.broadcast %mul3A_2 : i32 to vector<16xi32>
    %add3A_74 = arith.addi %add3A_73, %add3A_69 : vector<16xi32>
    %mul3A_75 = arith.constant 128 : i32
    %mul3A_76 = vector.broadcast %mul3A_75 : i32 to vector<16xi32>
    %mul3A_77 = arith.muli %add3A_74, %mul3A_76 : vector<16xi32>
    %add3A_78 = arith.addi %mul3A_77, %get3A_72 : vector<16xi32>
    %swap3A_79 = arith.constant 32 : index
    %swap3A_80 = tpu.vector_load %arg13[%swap3A_79] {strides = array<i32>} : memref<128xi32, #tpu.memory_space<vmem>>, vector<16xi32>,
    %swap3A_81 = vector.shape_cast %swap3A_80 : vector<16xi32> to vector<16xi32>
    %swap3A_82 = vector.shape_cast %add3A_78 : vector<16xi32> to vector<16xi32>
    tpu.vector_store %arg13[%swap3A_79], %swap3A_82 {strides = array<i32>} : memref<128xi32, #tpu.memory_space<vmem>>, vector<16xi32>,
    %add3A_83 = arith.constant 16 : i32
    %add3A_84 = vector.broadcast %add3A_83 : i32 to vector<16xi32>
    %add3A_85 = arith.addi %iota3A, %add3A_84 : vector<16xi32>
    %get3A_86 = arith.constant 16 : index
    %get3A_87 = tpu.vector_load %arg8[%get3A_86] {strides = array<i32>} : memref<32xi32, #tpu.memory_space<vmem>>, vector<16xi32>,
    %get3A_88 = vector.shape_cast %get3A_87 : vector<16xi32> to vector<16xi32>
    %add3A_89 = vector.broadcast %mul3A_2 : i32 to vector<16xi32>
    %add3A_90 = arith.addi %add3A_89, %add3A_85 : vector<16xi32>
    %mul3A_91 = arith.constant 128 : i32
    %mul3A_92 = vector.broadcast %mul3A_91 : i32 to vector<16xi32>
    %mul3A_93 = arith.muli %add3A_90, %mul3A_92 : vector<16xi32>
    %add3A_94 = arith.addi %mul3A_93, %get3A_88 : vector<16xi32>
    %swap3A_95 = arith.constant 48 : index
    %swap3A_96 = tpu.vector_load %arg13[%swap3A_95] {strides = array<i32>} : memref<128xi32, #tpu.memory_space<vmem>>, vector<16xi32>,
    %swap3A_97 = vector.shape_cast %swap3A_96 : vector<16xi32> to vector<16xi32>
    %swap3A_98 = vector.shape_cast %add3A_94 : vector<16xi32> to vector<16xi32>
    tpu.vector_store %arg13[%swap3A_95], %swap3A_98 {strides = array<i32>} : memref<128xi32, #tpu.memory_space<vmem>>, vector<16xi32>,
    %add3A_99 = arith.constant 0 : i32
    %add3A_100 = vector.broadcast %add3A_99 : i32 to vector<16xi32>
    %add3A_101 = arith.addi %iota3A, %add3A_100 : vector<16xi32>
    %get3A_102 = arith.constant 0 : index
    %get3A_103 = tpu.vector_load %arg9[%get3A_102] {strides = array<i32>} : memref<32xi32, #tpu.memory_space<vmem>>, vector<16xi32>,
    %get3A_104 = vector.shape_cast %get3A_103 : vector<16xi32> to vector<16xi32>
    %add3A_105 = vector.broadcast %mul3A_2 : i32 to vector<16xi32>
    %add3A_106 = arith.addi %add3A_105, %add3A_101 : vector<16xi32>
    %mul3A_107 = arith.constant 128 : i32
    %mul3A_108 = vector.broadcast %mul3A_107 : i32 to vector<16xi32>
    %mul3A_109 = arith.muli %add3A_106, %mul3A_108 : vector<16xi32>
    %add3A_110 = arith.addi %mul3A_109, %get3A_104 : vector<16xi32>
    %swap3A_111 = arith.constant 64 : index
    %swap3A_112 = tpu.vector_load %arg13[%swap3A_111] {strides = array<i32>} : memref<128xi32, #tpu.memory_space<vmem>>, vector<16xi32>,
    %swap3A_113 = vector.shape_cast %swap3A_112 : vector<16xi32> to vector<16xi32>
    %swap3A_114 = vector.shape_cast %add3A_110 : vector<16xi32> to vector<16xi32>
    tpu.vector_store %arg13[%swap3A_111], %swap3A_114 {strides = array<i32>} : memref<128xi32, #tpu.memory_space<vmem>>, vector<16xi32>,
    %add3A_115 = arith.constant 16 : i32
    %add3A_116 = vector.broadcast %add3A_115 : i32 to vector<16xi32>
    %add3A_117 = arith.addi %iota3A, %add3A_116 : vector<16xi32>
    %get3A_118 = arith.constant 16 : index
    %get3A_119 = tpu.vector_load %arg9[%get3A_118] {strides = array<i32>} : memref<32xi32, #tpu.memory_space<vmem>>, vector<16xi32>,
    %get3A_120 = vector.shape_cast %get3A_119 : vector<16xi32> to vector<16xi32>
    %add3A_121 = vector.broadcast %mul3A_2 : i32 to vector<16xi32>
    %add3A_122 = arith.addi %add3A_121, %add3A_117 : vector<16xi32>
    %mul3A_123 = arith.constant 128 : i32
    %mul3A_124 = vector.broadcast %mul3A_123 : i32 to vector<16xi32>
    %mul3A_125 = arith.muli %add3A_122, %mul3A_124 : vector<16xi32>
    %add3A_126 = arith.addi %mul3A_125, %get3A_120 : vector<16xi32>
    %swap3A_127 = arith.constant 80 : index
    %swap3A_128 = tpu.vector_load %arg13[%swap3A_127] {strides = array<i32>} : memref<128xi32, #tpu.memory_space<vmem>>, vector<16xi32>,
    %swap3A_129 = vector.shape_cast %swap3A_128 : vector<16xi32> to vector<16xi32>
    %swap3A_130 = vector.shape_cast %add3A_126 : vector<16xi32> to vector<16xi32>
    tpu.vector_store %arg13[%swap3A_127], %swap3A_130 {strides = array<i32>} : memref<128xi32, #tpu.memory_space<vmem>>, vector<16xi32>,
    %add3A_131 = arith.constant 0 : i32
    %add3A_132 = vector.broadcast %add3A_131 : i32 to vector<16xi32>
    %add3A_133 = arith.addi %iota3A, %add3A_132 : vector<16xi32>
    %get3A_134 = arith.constant 0 : index
    %get3A_135 = tpu.vector_load %arg10[%get3A_134] {strides = array<i32>} : memref<32xi32, #tpu.memory_space<vmem>>, vector<16xi32>,
    %get3A_136 = vector.shape_cast %get3A_135 : vector<16xi32> to vector<16xi32>
    %add3A_137 = vector.broadcast %mul3A_2 : i32 to vector<16xi32>
    %add3A_138 = arith.addi %add3A_137, %add3A_133 : vector<16xi32>
    %mul3A_139 = arith.constant 128 : i32
    %mul3A_140 = vector.broadcast %mul3A_139 : i32 to vector<16xi32>
    %mul3A_141 = arith.muli %add3A_138, %mul3A_140 : vector<16xi32>
    %add3A_142 = arith.addi %mul3A_141, %get3A_136 : vector<16xi32>
    %swap3A_143 = arith.constant 96 : index
    %swap3A_144 = tpu.vector_load %arg13[%swap3A_143] {strides = array<i32>} : memref<128xi32, #tpu.memory_space<vmem>>, vector<16xi32>,
    %swap3A_145 = vector.shape_cast %swap3A_144 : vector<16xi32> to vector<16xi32>
    %swap3A_146 = vector.shape_cast %add3A_142 : vector<16xi32> to vector<16xi32>
    tpu.vector_store %arg13[%swap3A_143], %swap3A_146 {strides = array<i32>} : memref<128xi32, #tpu.memory_space<vmem>>, vector<16xi32>,
    %add3A_147 = arith.constant 16 : i32
    %add3A_148 = vector.broadcast %add3A_147 : i32 to vector<16xi32>
    %add3A_149 = arith.addi %iota3A, %add3A_148 : vector<16xi32>
    %get3A_150 = arith.constant 16 : index
    %get3A_151 = tpu.vector_load %arg10[%get3A_150] {strides = array<i32>} : memref<32xi32, #tpu.memory_space<vmem>>, vector<16xi32>,
    %get3A_152 = vector.shape_cast %get3A_151 : vector<16xi32> to vector<16xi32>
    %add3A_153 = vector.broadcast %mul3A_2 : i32 to vector<16xi32>
    %add3A_154 = arith.addi %add3A_153, %add3A_149 : vector<16xi32>
    %mul3A_155 = arith.constant 128 : i32
    %mul3A_156 = vector.broadcast %mul3A_155 : i32 to vector<16xi32>
    %mul3A_157 = arith.muli %add3A_154, %mul3A_156 : vector<16xi32>
    %add3A_158 = arith.addi %mul3A_157, %get3A_152 : vector<16xi32>
    %swap3A_159 = arith.constant 112 : index
    %swap3A_160 = tpu.vector_load %arg13[%swap3A_159] {strides = array<i32>} : memref<128xi32, #tpu.memory_space<vmem>>, vector<16xi32>,
    %swap3A_161 = vector.shape_cast %swap3A_160 : vector<16xi32> to vector<16xi32>
    %swap3A_162 = vector.shape_cast %add3A_158 : vector<16xi32> to vector<16xi32>
    tpu.vector_store %arg13[%swap3A_159], %swap3A_162 {strides = array<i32>} : memref<128xi32, #tpu.memory_space<vmem>>, vector<16xi32>,
    %add3A_163 = arith.constant 0 : i32
    %add3A_164 = vector.broadcast %add3A_163 : i32 to vector<16xi32>
    %add3A_165 = arith.addi %iota3A, %add3A_164 : vector<16xi32>
    %get3A_166 = arith.constant 0 : index
    %get3A_167 = tpu.vector_load %arg11[%get3A_166] {strides = array<i32>} : memref<32xi32, #tpu.memory_space<vmem>>, vector<16xi32>,
    %get3A_168 = vector.shape_cast %get3A_167 : vector<16xi32> to vector<16xi32>
    %add3A_169 = arith.constant 2 : i32
    %add3A_170 = vector.broadcast %add3A_169 : i32 to vector<16xi32>
    %add3A_171 = arith.addi %get3A_168, %add3A_170 : vector<16xi32>
    %mul3A_172 = arith.constant 1024 : i32
    %mul3A_173 = vector.broadcast %mul3A_172 : i32 to vector<16xi32>
    %mul3A_174 = arith.muli %add3A_171, %mul3A_173 : vector<16xi32>
    %add3A_175 = vector.broadcast %mul3A_2 : i32 to vector<16xi32>
    %add3A_176 = arith.addi %mul3A_174, %add3A_175 : vector<16xi32>
    %add3A_177 = arith.addi %add3A_176, %add3A_165 : vector<16xi32>
    %swap3A_178 = arith.constant 0 : index
    %swap3A_179 = tpu.vector_load %arg14[%swap3A_178] {strides = array<i32>} : memref<64xi32, #tpu.memory_space<vmem>>, vector<16xi32>,
    %swap3A_180 = vector.shape_cast %swap3A_179 : vector<16xi32> to vector<16xi32>
    %swap3A_181 = vector.shape_cast %add3A_177 : vector<16xi32> to vector<16xi32>
    tpu.vector_store %arg14[%swap3A_178], %swap3A_181 {strides = array<i32>} : memref<64xi32, #tpu.memory_space<vmem>>, vector<16xi32>,
    %add3A_182 = arith.constant 16 : i32
    %add3A_183 = vector.broadcast %add3A_182 : i32 to vector<16xi32>
    %add3A_184 = arith.addi %iota3A, %add3A_183 : vector<16xi32>
    %get3A_185 = arith.constant 16 : index
    %get3A_186 = tpu.vector_load %arg11[%get3A_185] {strides = array<i32>} : memref<32xi32, #tpu.memory_space<vmem>>, vector<16xi32>,
    %get3A_187 = vector.shape_cast %get3A_186 : vector<16xi32> to vector<16xi32>
    %add3A_188 = arith.constant 2 : i32
    %add3A_189 = vector.broadcast %add3A_188 : i32 to vector<16xi32>
    %add3A_190 = arith.addi %get3A_187, %add3A_189 : vector<16xi32>
    %mul3A_191 = arith.constant 1024 : i32
    %mul3A_192 = vector.broadcast %mul3A_191 : i32 to vector<16xi32>
    %mul3A_193 = arith.muli %add3A_190, %mul3A_192 : vector<16xi32>
    %add3A_194 = vector.broadcast %mul3A_2 : i32 to vector<16xi32>
    %add3A_195 = arith.addi %mul3A_193, %add3A_194 : vector<16xi32>
    %add3A_196 = arith.addi %add3A_195, %add3A_184 : vector<16xi32>
    %swap3A_197 = arith.constant 16 : index
    %swap3A_198 = tpu.vector_load %arg14[%swap3A_197] {strides = array<i32>} : memref<64xi32, #tpu.memory_space<vmem>>, vector<16xi32>,
    %swap3A_199 = vector.shape_cast %swap3A_198 : vector<16xi32> to vector<16xi32>
    %swap3A_200 = vector.shape_cast %add3A_196 : vector<16xi32> to vector<16xi32>
    tpu.vector_store %arg14[%swap3A_197], %swap3A_200 {strides = array<i32>} : memref<64xi32, #tpu.memory_space<vmem>>, vector<16xi32>,
    %add3A_201 = arith.constant 0 : i32
    %add3A_202 = vector.broadcast %add3A_201 : i32 to vector<16xi32>
    %add3A_203 = arith.addi %iota3A, %add3A_202 : vector<16xi32>
    %get3A_204 = arith.constant 0 : index
    %get3A_205 = tpu.vector_load %arg12[%get3A_204] {strides = array<i32>} : memref<32xi32, #tpu.memory_space<vmem>>, vector<16xi32>,
    %get3A_206 = vector.shape_cast %get3A_205 : vector<16xi32> to vector<16xi32>
    %add3A_207 = arith.constant 2 : i32
    %add3A_208 = vector.broadcast %add3A_207 : i32 to vector<16xi32>
    %add3A_209 = arith.addi %get3A_206, %add3A_208 : vector<16xi32>
    %mul3A_210 = arith.constant 1024 : i32
    %mul3A_211 = vector.broadcast %mul3A_210 : i32 to vector<16xi32>
    %mul3A_212 = arith.muli %add3A_209, %mul3A_211 : vector<16xi32>
    %add3A_213 = vector.broadcast %mul3A_2 : i32 to vector<16xi32>
    %add3A_214 = arith.addi %mul3A_212, %add3A_213 : vector<16xi32>
    %add3A_215 = arith.addi %add3A_214, %add3A_203 : vector<16xi32>
    %swap3A_216 = arith.constant 32 : index
    %swap3A_217 = tpu.vector_load %arg14[%swap3A_216] {strides = array<i32>} : memref<64xi32, #tpu.memory_space<vmem>>, vector<16xi32>,
    %swap3A_218 = vector.shape_cast %swap3A_217 : vector<16xi32> to vector<16xi32>
    %swap3A_219 = vector.shape_cast %add3A_215 : vector<16xi32> to vector<16xi32>
    tpu.vector_store %arg14[%swap3A_216], %swap3A_219 {strides = array<i32>} : memref<64xi32, #tpu.memory_space<vmem>>, vector<16xi32>,
    %add3A_220 = arith.constant 16 : i32
    %add3A_221 = vector.broadcast %add3A_220 : i32 to vector<16xi32>
    %add3A_222 = arith.addi %iota3A, %add3A_221 : vector<16xi32>
    %get3A_223 = arith.constant 16 : index
    %get3A_224 = tpu.vector_load %arg12[%get3A_223] {strides = array<i32>} : memref<32xi32, #tpu.memory_space<vmem>>, vector<16xi32>,
    %get3A_225 = vector.shape_cast %get3A_224 : vector<16xi32> to vector<16xi32>
    %add3A_226 = arith.constant 2 : i32
    %add3A_227 = vector.broadcast %add3A_226 : i32 to vector<16xi32>
    %add3A_228 = arith.addi %get3A_225, %add3A_227 : vector<16xi32>
    %mul3A_229 = arith.constant 1024 : i32
    %mul3A_230 = vector.broadcast %mul3A_229 : i32 to vector<16xi32>
    %mul3A_231 = arith.muli %add3A_228, %mul3A_230 : vector<16xi32>
    %add3A_232 = vector.broadcast %mul3A_2 : i32 to vector<16xi32>
    %add3A_233 = arith.addi %mul3A_231, %add3A_232 : vector<16xi32>
    %add3A_234 = arith.addi %add3A_233, %add3A_222 : vector<16xi32>
    %swap3A_235 = arith.constant 48 : index
    %swap3A_236 = tpu.vector_load %arg14[%swap3A_235] {strides = array<i32>} : memref<64xi32, #tpu.memory_space<vmem>>, vector<16xi32>,
    %swap3A_237 = vector.shape_cast %swap3A_236 : vector<16xi32> to vector<16xi32>
    %swap3A_238 = vector.shape_cast %add3A_234 : vector<16xi32> to vector<16xi32>
    tpu.vector_store %arg14[%swap3A_235], %swap3A_238 {strides = array<i32>} : memref<64xi32, #tpu.memory_space<vmem>>, vector<16xi32>,
    %dma_start3A_239 = arith.constant 0 : i32
    %dma_start3A_240 = arith.constant 0 : i32
    %dma_start3A_241 = tpu.memref_slice %arg2[%dma_start3A_239, %dma_start3A_240] : memref<131072x256xf32, #tpu.memory_space<hbm>> -> memref<131072x256xf32, #tpu.memory_space<hbm>>
    tpu.enqueue_indirect_dma source(%dma_start3A_241 : memref<131072x256xf32, #tpu.memory_space<hbm>>) target(%arg15 : memref<128x256xf32, #tpu.memory_space<vmem>>) offsets(%arg13 : memref<128xi32, #tpu.memory_space<vmem>>) semaphore(%arg19 : memref<!tpu.dma_semaphore, #tpu.memory_space<semaphore_mem>>)
    %dma_start3A_242 = arith.constant 0 : i32
    %dma_start3A_243 = arith.constant 0 : i32
    %dma_start3A_244 = tpu.memref_slice %arg3[%dma_start3A_242, %dma_start3A_243] : memref<133120x256xf32, #tpu.memory_space<hbm>> -> memref<133120x256xf32, #tpu.memory_space<hbm>>
    tpu.enqueue_indirect_dma source(%dma_start3A_244 : memref<133120x256xf32, #tpu.memory_space<hbm>>) target(%arg16 : memref<64x256xf32, #tpu.memory_space<vmem>>) offsets(%arg14 : memref<64xi32, #tpu.memory_space<vmem>>) semaphore(%arg19 : memref<!tpu.dma_semaphore, #tpu.memory_space<semaphore_mem>>)
    "tpu.region"() ({
      %run_scoped3A = tpu.sem_alloc : memref<!tpu.dma_semaphore, #tpu.memory_space<semaphore_mem>>
      %dma_start3A_371 = arith.constant 0 : i32
      %dma_start3A_372 = tpu.memref_slice %arg5[%mul3A_2, %dma_start3A_371] : memref<1024x32xf32, #tpu.memory_space<hbm>> -> memref<32x32xf32, #tpu.memory_space<hbm>>
      %dma_start3A_373 = arith.constant 0 : i32
      %dma_start3A_374 = tpu.memref_slice %arg5[%mul3A_2, %dma_start3A_373] : memref<1024x32xf32, #tpu.memory_space<hbm>> -> memref<32x32xf32, #tpu.memory_space<hbm>>
      tpu.enqueue_dma source(%dma_start3A_374 : memref<32x32xf32, #tpu.memory_space<hbm>>) target(%arg17 : memref<32x32xf32, #tpu.memory_space<vmem>>) target_semaphore(%run_scoped3A : memref<!tpu.dma_semaphore, #tpu.memory_space<semaphore_mem>>)
      %dma_wait3A_375 = arith.constant 0 : i32
      %dma_wait3A_376 = tpu.memref_slice %arg5[%mul3A_2, %dma_wait3A_375] : memref<1024x32xf32, #tpu.memory_space<hbm>> -> memref<32x32xf32, #tpu.memory_space<hbm>>
      %dma_wait3A_377 = arith.constant 0 : i32
      %dma_wait3A_378 = tpu.memref_slice %arg5[%mul3A_2, %dma_wait3A_377] : memref<1024x32xf32, #tpu.memory_space<hbm>> -> memref<32x32xf32, #tpu.memory_space<hbm>>
      tpu.wait_dma2 semaphore(%run_scoped3A : memref<!tpu.dma_semaphore, #tpu.memory_space<semaphore_mem>>) src(%dma_wait3A_378 : memref<32x32xf32, #tpu.memory_space<hbm>>) dst(%arg17 : memref<32x32xf32, #tpu.memory_space<vmem>>)
      tpu.yield
    }) : () -> ()
    "tpu.region"() ({
      %run_scoped3A = tpu.sem_alloc : memref<!tpu.dma_semaphore, #tpu.memory_space<semaphore_mem>>
      %dma_start3A_371 = arith.constant 1536 : i32
      %dma_start3A_372 = tpu.memref_slice %arg6[%mul3A_2, %dma_start3A_371] : memref<1024x1568xf32, #tpu.memory_space<hbm>> -> memref<32x32xf32, #tpu.memory_space<hbm>>
      %dma_start3A_373 = arith.constant 1536 : i32
      %dma_start3A_374 = tpu.memref_slice %arg6[%mul3A_2, %dma_start3A_373] : memref<1024x1568xf32, #tpu.memory_space<hbm>> -> memref<32x32xf32, #tpu.memory_space<hbm>>
      tpu.enqueue_dma source(%arg17 : memref<32x32xf32, #tpu.memory_space<vmem>>) target(%dma_start3A_374 : memref<32x32xf32, #tpu.memory_space<hbm>>) target_semaphore(%run_scoped3A : memref<!tpu.dma_semaphore, #tpu.memory_space<semaphore_mem>>)
      %dma_wait3A_375 = arith.constant 1536 : i32
      %dma_wait3A_376 = tpu.memref_slice %arg6[%mul3A_2, %dma_wait3A_375] : memref<1024x1568xf32, #tpu.memory_space<hbm>> -> memref<32x32xf32, #tpu.memory_space<hbm>>
      %dma_wait3A_377 = arith.constant 1536 : i32
      %dma_wait3A_378 = tpu.memref_slice %arg6[%mul3A_2, %dma_wait3A_377] : memref<1024x1568xf32, #tpu.memory_space<hbm>> -> memref<32x32xf32, #tpu.memory_space<hbm>>
      tpu.wait_dma2 semaphore(%run_scoped3A : memref<!tpu.dma_semaphore, #tpu.memory_space<semaphore_mem>>) src(%arg17 : memref<32x32xf32, #tpu.memory_space<vmem>>) dst(%dma_wait3A_378 : memref<32x32xf32, #tpu.memory_space<hbm>>)
      tpu.yield
    }) : () -> ()
    %dma_wait3A_245 = arith.constant 0 : i32
    %dma_wait3A_246 = arith.constant 0 : i32
    %dma_wait3A_247 = tpu.memref_slice %arg2[%dma_wait3A_245, %dma_wait3A_246] : memref<131072x256xf32, #tpu.memory_space<hbm>> -> memref<131072x256xf32, #tpu.memory_space<hbm>>
    tpu.wait_indirect_dma semaphore(%arg19 : memref<!tpu.dma_semaphore, #tpu.memory_space<semaphore_mem>>) src(%dma_wait3A_247 : memref<131072x256xf32, #tpu.memory_space<hbm>>) dst(%arg15 : memref<128x256xf32, #tpu.memory_space<vmem>>)
    %dma_start3A_248 = arith.constant 0 : i32
    %dma_start3A_249 = arith.constant 0 : i32
    %dma_start3A_250 = tpu.memref_slice %arg15[%dma_start3A_248, %dma_start3A_249] : memref<128x256xf32, #tpu.memory_space<vmem>> -> memref<32x256xf32, #tpu.memory_space<vmem>>
    %dma_start3A_251 = arith.constant 0 : i32
    %dma_start3A_252 = tpu.memref_slice %arg6[%mul3A_2, %dma_start3A_251] : memref<1024x1568xf32, #tpu.memory_space<hbm>> -> memref<32x256xf32, #tpu.memory_space<hbm>>
    %dma_start3A_253 = arith.constant 0 : i32
    %dma_start3A_254 = tpu.memref_slice %arg6[%mul3A_2, %dma_start3A_253] : memref<1024x1568xf32, #tpu.memory_space<hbm>> -> memref<32x256xf32, #tpu.memory_space<hbm>>
    %dma_start3A_255 = arith.constant 0 : i32
    %dma_start3A_256 = arith.constant 0 : i32
    %dma_start3A_257 = tpu.memref_slice %arg15[%dma_start3A_255, %dma_start3A_256] : memref<128x256xf32, #tpu.memory_space<vmem>> -> memref<32x256xf32, #tpu.memory_space<vmem>>
    tpu.enqueue_dma source(%dma_start3A_257 : memref<32x256xf32, #tpu.memory_space<vmem>>) target(%dma_start3A_254 : memref<32x256xf32, #tpu.memory_space<hbm>>) target_semaphore(%arg20 : memref<!tpu.dma_semaphore, #tpu.memory_space<semaphore_mem>>)
    %dma_start3A_258 = arith.constant 32 : i32
    %dma_start3A_259 = arith.constant 0 : i32
    %dma_start3A_260 = tpu.memref_slice %arg15[%dma_start3A_258, %dma_start3A_259] : memref<128x256xf32, #tpu.memory_space<vmem>> -> memref<32x256xf32, #tpu.memory_space<vmem>>
    %dma_start3A_261 = arith.constant 256 : i32
    %dma_start3A_262 = tpu.memref_slice %arg6[%mul3A_2, %dma_start3A_261] : memref<1024x1568xf32, #tpu.memory_space<hbm>> -> memref<32x256xf32, #tpu.memory_space<hbm>>
    %dma_start3A_263 = arith.constant 256 : i32
    %dma_start3A_264 = tpu.memref_slice %arg6[%mul3A_2, %dma_start3A_263] : memref<1024x1568xf32, #tpu.memory_space<hbm>> -> memref<32x256xf32, #tpu.memory_space<hbm>>
    %dma_start3A_265 = arith.constant 32 : i32
    %dma_start3A_266 = arith.constant 0 : i32
    %dma_start3A_267 = tpu.memref_slice %arg15[%dma_start3A_265, %dma_start3A_266] : memref<128x256xf32, #tpu.memory_space<vmem>> -> memref<32x256xf32, #tpu.memory_space<vmem>>
    tpu.enqueue_dma source(%dma_start3A_267 : memref<32x256xf32, #tpu.memory_space<vmem>>) target(%dma_start3A_264 : memref<32x256xf32, #tpu.memory_space<hbm>>) target_semaphore(%arg20 : memref<!tpu.dma_semaphore, #tpu.memory_space<semaphore_mem>>)
    %dma_start3A_268 = arith.constant 64 : i32
    %dma_start3A_269 = arith.constant 0 : i32
    %dma_start3A_270 = tpu.memref_slice %arg15[%dma_start3A_268, %dma_start3A_269] : memref<128x256xf32, #tpu.memory_space<vmem>> -> memref<32x256xf32, #tpu.memory_space<vmem>>
    %dma_start3A_271 = arith.constant 512 : i32
    %dma_start3A_272 = tpu.memref_slice %arg6[%mul3A_2, %dma_start3A_271] : memref<1024x1568xf32, #tpu.memory_space<hbm>> -> memref<32x256xf32, #tpu.memory_space<hbm>>
    %dma_start3A_273 = arith.constant 512 : i32
    %dma_start3A_274 = tpu.memref_slice %arg6[%mul3A_2, %dma_start3A_273] : memref<1024x1568xf32, #tpu.memory_space<hbm>> -> memref<32x256xf32, #tpu.memory_space<hbm>>
    %dma_start3A_275 = arith.constant 64 : i32
    %dma_start3A_276 = arith.constant 0 : i32
    %dma_start3A_277 = tpu.memref_slice %arg15[%dma_start3A_275, %dma_start3A_276] : memref<128x256xf32, #tpu.memory_space<vmem>> -> memref<32x256xf32, #tpu.memory_space<vmem>>
    tpu.enqueue_dma source(%dma_start3A_277 : memref<32x256xf32, #tpu.memory_space<vmem>>) target(%dma_start3A_274 : memref<32x256xf32, #tpu.memory_space<hbm>>) target_semaphore(%arg20 : memref<!tpu.dma_semaphore, #tpu.memory_space<semaphore_mem>>)
    %dma_start3A_278 = arith.constant 96 : i32
    %dma_start3A_279 = arith.constant 0 : i32
    %dma_start3A_280 = tpu.memref_slice %arg15[%dma_start3A_278, %dma_start3A_279] : memref<128x256xf32, #tpu.memory_space<vmem>> -> memref<32x256xf32, #tpu.memory_space<vmem>>
    %dma_start3A_281 = arith.constant 768 : i32
    %dma_start3A_282 = tpu.memref_slice %arg6[%mul3A_2, %dma_start3A_281] : memref<1024x1568xf32, #tpu.memory_space<hbm>> -> memref<32x256xf32, #tpu.memory_space<hbm>>
    %dma_start3A_283 = arith.constant 768 : i32
    %dma_start3A_284 = tpu.memref_slice %arg6[%mul3A_2, %dma_start3A_283] : memref<1024x1568xf32, #tpu.memory_space<hbm>> -> memref<32x256xf32, #tpu.memory_space<hbm>>
    %dma_start3A_285 = arith.constant 96 : i32
    %dma_start3A_286 = arith.constant 0 : i32
    %dma_start3A_287 = tpu.memref_slice %arg15[%dma_start3A_285, %dma_start3A_286] : memref<128x256xf32, #tpu.memory_space<vmem>> -> memref<32x256xf32, #tpu.memory_space<vmem>>
    tpu.enqueue_dma source(%dma_start3A_287 : memref<32x256xf32, #tpu.memory_space<vmem>>) target(%dma_start3A_284 : memref<32x256xf32, #tpu.memory_space<hbm>>) target_semaphore(%arg20 : memref<!tpu.dma_semaphore, #tpu.memory_space<semaphore_mem>>)
    %dma_wait3A_288 = arith.constant 0 : i32
    %dma_wait3A_289 = arith.constant 0 : i32
    %dma_wait3A_290 = tpu.memref_slice %arg3[%dma_wait3A_288, %dma_wait3A_289] : memref<133120x256xf32, #tpu.memory_space<hbm>> -> memref<133120x256xf32, #tpu.memory_space<hbm>>
    tpu.wait_indirect_dma semaphore(%arg19 : memref<!tpu.dma_semaphore, #tpu.memory_space<semaphore_mem>>) src(%dma_wait3A_290 : memref<133120x256xf32, #tpu.memory_space<hbm>>) dst(%arg16 : memref<64x256xf32, #tpu.memory_space<vmem>>)
    %dma_start3A_291 = arith.constant 0 : i32
    %dma_start3A_292 = arith.constant 0 : i32
    %dma_start3A_293 = tpu.memref_slice %arg16[%dma_start3A_291, %dma_start3A_292] : memref<64x256xf32, #tpu.memory_space<vmem>> -> memref<32x256xf32, #tpu.memory_space<vmem>>
    %dma_start3A_294 = arith.constant 1024 : i32
    %dma_start3A_295 = tpu.memref_slice %arg6[%mul3A_2, %dma_start3A_294] : memref<1024x1568xf32, #tpu.memory_space<hbm>> -> memref<32x256xf32, #tpu.memory_space<hbm>>
    %dma_start3A_296 = arith.constant 1024 : i32
    %dma_start3A_297 = tpu.memref_slice %arg6[%mul3A_2, %dma_start3A_296] : memref<1024x1568xf32, #tpu.memory_space<hbm>> -> memref<32x256xf32, #tpu.memory_space<hbm>>
    %dma_start3A_298 = arith.constant 0 : i32
    %dma_start3A_299 = arith.constant 0 : i32
    %dma_start3A_300 = tpu.memref_slice %arg16[%dma_start3A_298, %dma_start3A_299] : memref<64x256xf32, #tpu.memory_space<vmem>> -> memref<32x256xf32, #tpu.memory_space<vmem>>
    tpu.enqueue_dma source(%dma_start3A_300 : memref<32x256xf32, #tpu.memory_space<vmem>>) target(%dma_start3A_297 : memref<32x256xf32, #tpu.memory_space<hbm>>) target_semaphore(%arg20 : memref<!tpu.dma_semaphore, #tpu.memory_space<semaphore_mem>>)
    %dma_start3A_301 = arith.constant 32 : i32
    %dma_start3A_302 = arith.constant 0 : i32
    %dma_start3A_303 = tpu.memref_slice %arg16[%dma_start3A_301, %dma_start3A_302] : memref<64x256xf32, #tpu.memory_space<vmem>> -> memref<32x256xf32, #tpu.memory_space<vmem>>
    %dma_start3A_304 = arith.constant 1280 : i32
    %dma_start3A_305 = tpu.memref_slice %arg6[%mul3A_2, %dma_start3A_304] : memref<1024x1568xf32, #tpu.memory_space<hbm>> -> memref<32x256xf32, #tpu.memory_space<hbm>>
    %dma_start3A_306 = arith.constant 1280 : i32
    %dma_start3A_307 = tpu.memref_slice %arg6[%mul3A_2, %dma_start3A_306] : memref<1024x1568xf32, #tpu.memory_space<hbm>> -> memref<32x256xf32, #tpu.memory_space<hbm>>
    %dma_start3A_308 = arith.constant 32 : i32
    %dma_start3A_309 = arith.constant 0 : i32
    %dma_start3A_310 = tpu.memref_slice %arg16[%dma_start3A_308, %dma_start3A_309] : memref<64x256xf32, #tpu.memory_space<vmem>> -> memref<32x256xf32, #tpu.memory_space<vmem>>
    tpu.enqueue_dma source(%dma_start3A_310 : memref<32x256xf32, #tpu.memory_space<vmem>>) target(%dma_start3A_307 : memref<32x256xf32, #tpu.memory_space<hbm>>) target_semaphore(%arg20 : memref<!tpu.dma_semaphore, #tpu.memory_space<semaphore_mem>>)
    %dma_wait3A_311 = arith.constant 0 : i32
    %dma_wait3A_312 = arith.constant 0 : i32
    %dma_wait3A_313 = tpu.memref_slice %arg15[%dma_wait3A_311, %dma_wait3A_312] : memref<128x256xf32, #tpu.memory_space<vmem>> -> memref<32x256xf32, #tpu.memory_space<vmem>>
    %dma_wait3A_314 = arith.constant 0 : i32
    %dma_wait3A_315 = tpu.memref_slice %arg6[%mul3A_2, %dma_wait3A_314] : memref<1024x1568xf32, #tpu.memory_space<hbm>> -> memref<32x256xf32, #tpu.memory_space<hbm>>
    %dma_wait3A_316 = arith.constant 0 : i32
    %dma_wait3A_317 = tpu.memref_slice %arg6[%mul3A_2, %dma_wait3A_316] : memref<1024x1568xf32, #tpu.memory_space<hbm>> -> memref<32x256xf32, #tpu.memory_space<hbm>>
    %dma_wait3A_318 = arith.constant 0 : i32
    %dma_wait3A_319 = arith.constant 0 : i32
    %dma_wait3A_320 = tpu.memref_slice %arg15[%dma_wait3A_318, %dma_wait3A_319] : memref<128x256xf32, #tpu.memory_space<vmem>> -> memref<32x256xf32, #tpu.memory_space<vmem>>
    tpu.wait_dma2 semaphore(%arg20 : memref<!tpu.dma_semaphore, #tpu.memory_space<semaphore_mem>>) src(%dma_wait3A_320 : memref<32x256xf32, #tpu.memory_space<vmem>>) dst(%dma_wait3A_317 : memref<32x256xf32, #tpu.memory_space<hbm>>)
    %dma_wait3A_321 = arith.constant 32 : i32
    %dma_wait3A_322 = arith.constant 0 : i32
    %dma_wait3A_323 = tpu.memref_slice %arg15[%dma_wait3A_321, %dma_wait3A_322] : memref<128x256xf32, #tpu.memory_space<vmem>> -> memref<32x256xf32, #tpu.memory_space<vmem>>
    %dma_wait3A_324 = arith.constant 256 : i32
    %dma_wait3A_325 = tpu.memref_slice %arg6[%mul3A_2, %dma_wait3A_324] : memref<1024x1568xf32, #tpu.memory_space<hbm>> -> memref<32x256xf32, #tpu.memory_space<hbm>>
    %dma_wait3A_326 = arith.constant 256 : i32
    %dma_wait3A_327 = tpu.memref_slice %arg6[%mul3A_2, %dma_wait3A_326] : memref<1024x1568xf32, #tpu.memory_space<hbm>> -> memref<32x256xf32, #tpu.memory_space<hbm>>
    %dma_wait3A_328 = arith.constant 32 : i32
    %dma_wait3A_329 = arith.constant 0 : i32
    %dma_wait3A_330 = tpu.memref_slice %arg15[%dma_wait3A_328, %dma_wait3A_329] : memref<128x256xf32, #tpu.memory_space<vmem>> -> memref<32x256xf32, #tpu.memory_space<vmem>>
    tpu.wait_dma2 semaphore(%arg20 : memref<!tpu.dma_semaphore, #tpu.memory_space<semaphore_mem>>) src(%dma_wait3A_330 : memref<32x256xf32, #tpu.memory_space<vmem>>) dst(%dma_wait3A_327 : memref<32x256xf32, #tpu.memory_space<hbm>>)
    %dma_wait3A_331 = arith.constant 64 : i32
    %dma_wait3A_332 = arith.constant 0 : i32
    %dma_wait3A_333 = tpu.memref_slice %arg15[%dma_wait3A_331, %dma_wait3A_332] : memref<128x256xf32, #tpu.memory_space<vmem>> -> memref<32x256xf32, #tpu.memory_space<vmem>>
    %dma_wait3A_334 = arith.constant 512 : i32
    %dma_wait3A_335 = tpu.memref_slice %arg6[%mul3A_2, %dma_wait3A_334] : memref<1024x1568xf32, #tpu.memory_space<hbm>> -> memref<32x256xf32, #tpu.memory_space<hbm>>
    %dma_wait3A_336 = arith.constant 512 : i32
    %dma_wait3A_337 = tpu.memref_slice %arg6[%mul3A_2, %dma_wait3A_336] : memref<1024x1568xf32, #tpu.memory_space<hbm>> -> memref<32x256xf32, #tpu.memory_space<hbm>>
    %dma_wait3A_338 = arith.constant 64 : i32
    %dma_wait3A_339 = arith.constant 0 : i32
    %dma_wait3A_340 = tpu.memref_slice %arg15[%dma_wait3A_338, %dma_wait3A_339] : memref<128x256xf32, #tpu.memory_space<vmem>> -> memref<32x256xf32, #tpu.memory_space<vmem>>
    tpu.wait_dma2 semaphore(%arg20 : memref<!tpu.dma_semaphore, #tpu.memory_space<semaphore_mem>>) src(%dma_wait3A_340 : memref<32x256xf32, #tpu.memory_space<vmem>>) dst(%dma_wait3A_337 : memref<32x256xf32, #tpu.memory_space<hbm>>)
    %dma_wait3A_341 = arith.constant 96 : i32
    %dma_wait3A_342 = arith.constant 0 : i32
    %dma_wait3A_343 = tpu.memref_slice %arg15[%dma_wait3A_341, %dma_wait3A_342] : memref<128x256xf32, #tpu.memory_space<vmem>> -> memref<32x256xf32, #tpu.memory_space<vmem>>
    %dma_wait3A_344 = arith.constant 768 : i32
    %dma_wait3A_345 = tpu.memref_slice %arg6[%mul3A_2, %dma_wait3A_344] : memref<1024x1568xf32, #tpu.memory_space<hbm>> -> memref<32x256xf32, #tpu.memory_space<hbm>>
    %dma_wait3A_346 = arith.constant 768 : i32
    %dma_wait3A_347 = tpu.memref_slice %arg6[%mul3A_2, %dma_wait3A_346] : memref<1024x1568xf32, #tpu.memory_space<hbm>> -> memref<32x256xf32, #tpu.memory_space<hbm>>
    %dma_wait3A_348 = arith.constant 96 : i32
    %dma_wait3A_349 = arith.constant 0 : i32
    %dma_wait3A_350 = tpu.memref_slice %arg15[%dma_wait3A_348, %dma_wait3A_349] : memref<128x256xf32, #tpu.memory_space<vmem>> -> memref<32x256xf32, #tpu.memory_space<vmem>>
    tpu.wait_dma2 semaphore(%arg20 : memref<!tpu.dma_semaphore, #tpu.memory_space<semaphore_mem>>) src(%dma_wait3A_350 : memref<32x256xf32, #tpu.memory_space<vmem>>) dst(%dma_wait3A_347 : memref<32x256xf32, #tpu.memory_space<hbm>>)
    %dma_wait3A_351 = arith.constant 0 : i32
    %dma_wait3A_352 = arith.constant 0 : i32
    %dma_wait3A_353 = tpu.memref_slice %arg16[%dma_wait3A_351, %dma_wait3A_352] : memref<64x256xf32, #tpu.memory_space<vmem>> -> memref<32x256xf32, #tpu.memory_space<vmem>>
    %dma_wait3A_354 = arith.constant 1024 : i32
    %dma_wait3A_355 = tpu.memref_slice %arg6[%mul3A_2, %dma_wait3A_354] : memref<1024x1568xf32, #tpu.memory_space<hbm>> -> memref<32x256xf32, #tpu.memory_space<hbm>>
    %dma_wait3A_356 = arith.constant 1024 : i32
    %dma_wait3A_357 = tpu.memref_slice %arg6[%mul3A_2, %dma_wait3A_356] : memref<1024x1568xf32, #tpu.memory_space<hbm>> -> memref<32x256xf32, #tpu.memory_space<hbm>>
    %dma_wait3A_358 = arith.constant 0 : i32
    %dma_wait3A_359 = arith.constant 0 : i32
    %dma_wait3A_360 = tpu.memref_slice %arg16[%dma_wait3A_358, %dma_wait3A_359] : memref<64x256xf32, #tpu.memory_space<vmem>> -> memref<32x256xf32, #tpu.memory_space<vmem>>
    tpu.wait_dma2 semaphore(%arg20 : memref<!tpu.dma_semaphore, #tpu.memory_space<semaphore_mem>>) src(%dma_wait3A_360 : memref<32x256xf32, #tpu.memory_space<vmem>>) dst(%dma_wait3A_357 : memref<32x256xf32, #tpu.memory_space<hbm>>)
    %dma_wait3A_361 = arith.constant 32 : i32
    %dma_wait3A_362 = arith.constant 0 : i32
    %dma_wait3A_363 = tpu.memref_slice %arg16[%dma_wait3A_361, %dma_wait3A_362] : memref<64x256xf32, #tpu.memory_space<vmem>> -> memref<32x256xf32, #tpu.memory_space<vmem>>
    %dma_wait3A_364 = arith.constant 1280 : i32
    %dma_wait3A_365 = tpu.memref_slice %arg6[%mul3A_2, %dma_wait3A_364] : memref<1024x1568xf32, #tpu.memory_space<hbm>> -> memref<32x256xf32, #tpu.memory_space<hbm>>
    %dma_wait3A_366 = arith.constant 1280 : i32
    %dma_wait3A_367 = tpu.memref_slice %arg6[%mul3A_2, %dma_wait3A_366] : memref<1024x1568xf32, #tpu.memory_space<hbm>> -> memref<32x256xf32, #tpu.memory_space<hbm>>
    %dma_wait3A_368 = arith.constant 32 : i32
    %dma_wait3A_369 = arith.constant 0 : i32
    %dma_wait3A_370 = tpu.memref_slice %arg16[%dma_wait3A_368, %dma_wait3A_369] : memref<64x256xf32, #tpu.memory_space<vmem>> -> memref<32x256xf32, #tpu.memory_space<vmem>>
    tpu.wait_dma2 semaphore(%arg20 : memref<!tpu.dma_semaphore, #tpu.memory_space<semaphore_mem>>) src(%dma_wait3A_370 : memref<32x256xf32, #tpu.memory_space<vmem>>) dst(%dma_wait3A_367 : memref<32x256xf32, #tpu.memory_space<hbm>>)
    return
  }
}

</mosaic_0001>

<sc_bundles>
// kernel: _run.3.cloned.1.call-start
scs
__scs_entry_jumppad:
0x0: {  	(pc) =	sbr.rel $0x88, $3  }
0x1: {  	(tag) =	ssettag $0x0;
	lr =	simm.s32 $0x1  }
0x2: {  	[smem:$0x3F9D] =	sst lr;
	_ =	strace $0xD0000000  }
0x3: {  	_ = 	snop  }
0x4: {  	_ = 	snop  }
0x5: {  	_ = 	snop  }
0x6: {  	_ = 	snop  }
0x7: {  	_ = 	snop  }
__scs_overlays_trampoline_lowered:
0x8: {  	[smem:$0x3FAC] =	sst s0  }
0x9: {  	[smem:$0x3FAD] =	sst s1  }
0xa: {  	[smem:$0x3FAE] =	sst s2  }
0xb: {  	[smem:$0x3FAF] =	sst s3  }
0xc: {  	[smem:$0x3FB0] =	sst s4  }
0xd: {  	[smem:$0x3FB1] =	sst s5  }
0xe: {  	[smem:$0x3FB2] =	sst s6  }
0xf: {  	[smem:$0x3FB3] =	sst s7  }
0x10: {  	[smem:$0x3FB4] =	sst s8  }
0x11: {  	[smem:$0x3FB5] =	sst s9;
	s0 =	simm.s32 @!p0 $0x0  }
0x12: {  	s1 =	sld [smem:$0x3F9B];
	s0 =	simm.s32 @p0 $0x1  }
0x13: {  	[smem:$0x3FB6] =	sst s0;
	s0 =	simm.s32 @!p1 $0x0  }
0x14: {  	s2 =	sld [smem:$0x3F9A];
	s0 =	simm.s32 @p1 $0x1  }
0x15: {  	[smem:$0x3FB7] =	sst s0;
	s0 =	simm.s32 @!p2 $0x0  }
0x16: {  	s3 =	sld [smem:$0x3FDB];
	s0 =	simm.s32 @p2 $0x1  }
0x17: {  	s4 =	simm.s32 $0x1BF5;
	[smem:$0x3FB9] =	sst s0  }
0x18: {  	s0 =	sld [smem:$0x3F9C];
	_ =	swait.ge [sflag:s4], $0x0  }
0x19: {  	s7 =	sld [smem:$0x3F9D]  }
0x1a: {  	s8 =	sadd.s32 $0xFFFFE003, lr  }
0x1b: {  	s9 =	sadd.s32 $0xFFFFFEF7, lr;
	s5 =	simm.s32 $0xFFFFFFFF;
	p2 =	slt.u32 s8, $0xFFFFF086  }
0x1c: {  	p1 =	slt.u32 s9, $0xF7A;
	s5 =	simm.s32 @!p2 $0x0  }
0x1d: {  	s5 =	simm.s32 @p1 $0x1;
	p0 =	seq.s32 s7, s2  }
0x1e: {  	s7 =	smul.u32 @!p0 $0xF7A, s2;
	p2 =	seq.s32 @!p0 s5, $0x0  }
0x1f: {  	s9 =	smul.u32 $0xF7A, s1;
	s8 =	simm.s32 @!p0 $0x1BF5;
	p2 =	por !p2, p0  }
0x20: {  	[sflag:s8] =	ssyncset.s32 @!p0 $0xFFFFF086;
	s6 =	sadd.s32 @!p0 s3, s7;
	s7 =	simm.s32 @!p0 $0x108  }
0x21: {  	s3 =	sadd.s32 s3, s9;
	s6 =	sadd.s32 @!p0 $0x88, s6;
	s7 =	simm.s32 @p2 $0x1082  }
0x22: {  	[simem:s7], [sflag:s8] =	dma.local @!p0 [hbm:s6], $0xF7A  }
0x23: {  	s9 =	sor.u32 $0xD0000000, s2;
	s6 =	simm.s32 $0x108;
	_ =	swait.ge @!p0 [sflag:s8], $0x0  }
0x24: {  	s3 =	sadd.s32 $0x88, s3;
	s6 =	simm.s32 @!p1 $0x1082;
	[sflag:s4] =	ssyncset.s32 $0xFFFFF086  }
0x25: {  	[simem:s6], [sflag:s4] =	dma.local [hbm:s3], $0xF7A  }
0x26: {  	[smem:$0x3F9D] =	sst s1;
	(tag) =	ssettag s2;
	_ =	strace s9  }
0x27: {  	s1 =	sld [smem:$0x3FAD]  }
0x28: {  	s2 =	sld [smem:$0x3FAE]  }
0x29: {  	s4 =	sld [smem:$0x3FB0]  }
0x2a: {  	p0 =	seq.s32 s5, $0x0;
	s5 =	sld [smem:$0x3FB1]  }
0x2b: {  	s6 =	sld [smem:$0x3FB2]  }
0x2c: {  	s7 =	sld [smem:$0x3FB3]  }
0x2d: {  	s3 =	simm.s32 $0x108;
	s8 =	sld [smem:$0x3FB4]  }
0x2e: {  	s3 =	simm.s32 @!p0 $0x1082;
	s9 =	sld [smem:$0x3FB5]  }
0x2f: {  	lr =	sadd.s32 s0, s3;
	s0 =	sld [smem:$0x3FAC]  }
0x30: {  	s3 =	sld [smem:$0x3FAF]  }
0x31: {  	[smem:$0x3FB8] =	sst s10  }
0x32: {  	s10 =	sld [smem:$0x3FB6];
	_ =	sdelay $0x3  }
0x33: {  	p0 =	seq.s32 s10, $0x1;
	s10 =	sld [smem:$0x3FB8];
	_ =	sdelay $0x3  }
0x34: {  	[smem:$0x3FB8] =	sst s10  }
0x35: {  	s10 =	sld [smem:$0x3FB7];
	_ =	sdelay $0x3  }
0x36: {  	p1 =	seq.s32 s10, $0x1;
	s10 =	sld [smem:$0x3FB8];
	_ =	sdelay $0x3  }
0x37: {  	[smem:$0x3FB8] =	sst s10  }
0x38: {  	s10 =	sld [smem:$0x3FB9]  }
0x39: {  	_ = 	snop;
	(pc) =	sbr.ind lr, $3  }
0x3a: {  	_ = 	snop  }
0x3b: {  	_ = 	snop  }
0x3c: {  	p2 =	seq.s32 s10, $0x1;
	s10 =	sld [smem:$0x3FB8]  }
0x3d: {  	_ =	shalt  }
0x3e: {  	_ =	shalt  }
0x3f: {  	_ =	shalt  }
0x40: {  	_ =	shalt  }
0x41: {  	_ =	shalt  }
0x42: {  	_ =	shalt  }
0x43: {  	_ =	shalt  }
0x44: {  	_ =	shalt  }
0x45: {  	_ =	shalt  }
0x46: {  	_ =	shalt  }
0x47: {  	_ =	shalt  }
0x48: {  	_ =	shalt  }
0x49: {  	_ =	shalt  }
0x4a: {  	_ =	shalt  }
0x4b: {  	_ =	shalt  }
0x4c: {  	_ =	shalt  }
0x4d: {  	_ =	shalt  }
0x4e: {  	_ =	shalt  }
0x4f: {  	_ =	shalt  }
0x50: {  	_ =	shalt  }
0x51: {  	_ =	shalt  }
0x52: {  	_ =	shalt  }
0x53: {  	_ =	shalt  }
0x54: {  	_ =	shalt  }
0x55: {  	_ =	shalt  }
0x56: {  	_ =	shalt  }
0x57: {  	_ =	shalt  }
0x58: {  	_ =	shalt  }
0x59: {  	_ =	shalt  }
0x5a: {  	_ =	shalt  }
0x5b: {  	_ =	shalt  }
0x5c: {  	_ =	shalt  }
0x5d: {  	_ =	shalt  }
0x5e: {  	_ =	shalt  }
0x5f: {  	_ =	shalt  }
0x60: {  	_ =	shalt  }
0x61: {  	_ =	shalt  }
0x62: {  	_ =	shalt  }
0x63: {  	_ =	shalt  }
0x64: {  	_ =	shalt  }
0x65: {  	_ =	shalt  }
0x66: {  	_ =	shalt  }
0x67: {  	_ =	shalt  }
0x68: {  	_ =	shalt  }
0x69: {  	_ =	shalt  }
0x6a: {  	_ =	shalt  }
0x6b: {  	_ =	shalt  }
0x6c: {  	_ =	shalt  }
0x6d: {  	_ =	shalt  }
0x6e: {  	_ =	shalt  }
0x6f: {  	_ =	shalt  }
0x70: {  	_ =	shalt  }
0x71: {  	_ =	shalt  }
0x72: {  	_ =	shalt  }
0x73: {  	_ =	shalt  }
0x74: {  	_ =	shalt  }
0x75: {  	_ =	shalt  }
0x76: {  	_ =	shalt  }
0x77: {  	_ =	shalt  }
0x78: {  	_ =	shalt  }
0x79: {  	_ =	shalt  }
0x7a: {  	_ =	shalt  }
0x7b: {  	_ =	shalt  }
0x7c: {  	_ =	shalt  }
0x7d: {  	_ =	shalt  }
0x7e: {  	_ =	shalt  }
0x7f: {  	_ =	shalt  }
0x80: {  	_ =	shalt  }
0x81: {  	_ =	shalt  }
0x82: {  	_ =	shalt  }
0x83: {  	_ =	shalt  }
0x84: {  	_ =	shalt  }
0x85: {  	_ =	shalt  }
0x86: {  	_ =	shalt  }
0x87: {  	_ =	shalt  }
.Lfunc_end0:
.L_simem_size_0:
called_computation_lowered:
.L_overlay_start_0:
0x88: {  	s2 =	sld [smem:$0x3FD9]  }
0x89: {  	s3 =	sld [smem:$0x3FFE];
	_ =	sdelay $0x1  }
0x8a: {  	s1 =	srdreg.scid  }
0x8b: {  	s0 =	sand.u32 $0x1, s1  }
0x8c: {  	s17 =	sshll.u32 s0, $0xA;
	s2 =	sadd.s32 s3, s2  }
0x8d: {  	s2 =	sadd.s32 s2, s17  }
0x8e: {  	[smem:$0x3FC4] =	sst s2  }
0x8f: {  	_ = 	snop  }
0x90: {  	s2 =	sld [smem:$0x3FC9]  }
0x91: {  	s18 =	sld [smem:$0x3FC8]  }
0x92: {  	s4 =	sld [smem:$0x3FC7]  }
0x93: {  	s5 =	sld [smem:$0x3FD0];
	(tm) =	ssettm $0x1  }
0x94: {  	s6 =	sld [smem:$0x3FFB];
	_ =	sdelay $0x3  }
0x95: {  	_ =	strace s6  }
0x96: {  	s6 =	sld [smem:$0x3FFC];
	_ =	sdelay $0x3  }
0x97: {  	_ =	strace s6  }
0x98: {  	s6 =	sld [smem:$0x3FFD];
	_ =	sdelay $0x3  }
0x99: {  	_ =	strace s6  }
0x9a: {  	_ =	strace $0x8FFFFFFF  }
0x9b: {  	s19 =	sld [smem:$0x3FDB];
	_ =	sdelay $0x1  }
0x9c: {  	s7 =	simm.s32 $_scs_section_size  }
0x9d: {  	s8 =	simm.s32 $_size__tile_overlayer_lowered;
	s9 =	simm.s32 $_tile_overlayer_lowered  }
0x9e: {  	s22 =	simm.s32 $0x1BFF;
	s21 =	sshll.u32 s9, $0x1;
	s6 =	sadd.s32 s7, s19  }
0x9f: {  	s10 =	simm.s32 $0x0;
	s20 =	sshll.u32 s8, $0x1;
	s8 =	sadd.s32 s21, s6  }
0xa0: {  	[timem:s10], [sflag:s22] =	dma.local [hbm:s8], s20  }
0xa1: {  	_ =	swait.ge [sflag:s22], s20  }
0xa2: {  	s7 =	ssub.s32 $0x0, s20;
	[sflag:s22] =	ssyncset.done $0x0  }
0xa3: {  	[sflag:s22] =	ssyncadd.s32 s7;
	_ =	sdelay $0x1  }
0xa4: {  	s23 =	simm.s32 $0x1B8B  }
0xa5: {  	_ =	swait.ge [sflag:s23], $0x1  }
0xa6: {  	[sflag:s23] =	ssyncset.done $0x0  }
0xa7: {  	s25 =	simm.s32 $0x1B8E;
	s24 =	sld [smem:$0x3FFE];
	[sflag:s23] =	ssyncadd.s32 $0xFFFFFFFF  }
0xa8: {  	s26 =	simm.s32 $execute0_lowered;
	[smem:$0x3FD2] =	sst s25  }
0xa9: {  	s8 =	sshll.u32 s26, $0x1;
	_ =	strace $0x80000046;
	[dreg:$0x1] =	wrdreg $0xFFFFFFFF  }
0xaa: {  	s28 =	simm.s32 $_size_execute0_lowered;
	s6 =	sadd.s32 s6, s8;
	[dreg:$0x0] =	wrdreg $0x0  }
0xab: {  	s8 =	sshll.u32 s28, $0x1;
	[dreg:$0x2] =	wrdreg s6  }
0xac: {  	[dreg:$0x3] =	wrdreg s8  }
0xad: {  	[dreg:$0x4] =	wrdreg $0xC0  }
0xae: {  	_ =	task [dreg:s10], $0x5FFFF  }
0xaf: {  	[dreg:$0x1] =	wrdreg $0xFFFFFFFF  }
0xb0: {  	[dreg:$0x0] =	wrdreg $0x60  }
0xb1: {  	[dreg:$0x2] =	wrdreg s2  }
0xb2: {  	[dreg:$0x3] =	wrdreg s18  }
0xb3: {  	[dreg:$0x4] =	wrdreg s4  }
0xb4: {  	[dreg:$0x5] =	wrdreg s5  }
0xb5: {  	[dreg:$0x6] =	wrdreg s24  }
0xb6: {  	[dreg:$0x7] =	wrdreg $0x9  }
0xb7: {  	_ =	task.clear_ibuf [dreg:s10], $0x8FFFF;
	_ =	strace $0x90000046  }
0xb8: {  	s29 =	simm.s32 $0x9;
	_ =	strace $0x80000048  }
0xb9: {  	_ =	swait.ge [sflag:s29], $0x1  }
0xba: {  	[sflag:s29] =	ssyncadd.s32 $0xFFFFFFFF  }
0xbb: {  	_ =	strace $0x90000048  }
0xbc: {  	_ =	sfence  }
0xbd: {  	s30 =	sld [smem:$0x0];
	_ =	sdelay $0x2  }
0xbe: {  	s31 =	sshll.u32 s1, $0xD;
	s1 =	sshrl.u32 s1, $0x2  }
0xbf: {  	s3 =	sand.u32 $0x4000, s31;
	s1 =	sadd.s32 s1, s30  }
0xc0: {  	s0 =	sor.u32 s3, s0;
	s1 =	sshll.u32 s1, $0x11  }
0xc1: {  	s0 =	sor.u32 s1, s0  }
0xc2: {  	s0 =	sadd.s32 $0x8F2B, s0  }
0xc3: {  	[sflag:s0] =	ssyncadd.remote.s32 $0x1  }
0xc4: {  	_ =	sfence.sel $0xFFFF  }
0xc5: {  	[dreg:$0x0] =	wrdreg $0xFFFFFFFF;
	(pc) =	sbr.abs _section_cstart, $3  }
0xc6: {  	[dreg:$0x1] =	wrdreg $0xFFFFFFFF  }
0xc7: {  	_ =	task.clear_ibuf [dreg:s10], $0x2FFFF;
	_ =	strace $0x9FFFFFFF  }
0xc8: {  	(tm) =	ssettm $0x7FFFFFFF  }
0xc9: {  	_ =	shalt  }
tec
execute0_lowered:
.L_overlay_start_1:
0x0: {  	(tag) =	ssettag $0x1  }
0x1: {  	s1 =	rddreg [dreg:$0x0]  }
0x2: {  	s2 =	rddreg [dreg:$0x1]  }
0x3: {  	s5 =	rddreg [dreg:$0x2]  }
0x4: {  	s3 =	srdreg.scid;
	s7 =	rddreg [dreg:$0x3]  }
0x5: {  	s0 =	stileid.u32;
	s8 =	rddreg [dreg:$0x4];
	s16 =	simm.s32 $0x80  }
0x6: {  	s17 =	simm.s32 $0x100;
	s18 =	simm.s32 $0x180;
	s6 =	sand.u32 $0x1, s3  }
0x7: {  	s19 =	simm.s32 $0x200;
	s23 =	sshll.u32 s0, $0x6;
	s4 =	sshll.u32 s6, $0x5  }
0x8: {  	s20 =	simm.s32 $0x280;
	s3 =	sor.u32 s4, s23;
	s4 =	simm.s32 $0x0  }
0x9: {  	s22 =	simm.s32 $0xC00;
	s28 =	simm.s32 $0xC400;
	[smem:$0x7FF] =	sst s4  }
0xa: {  	s29 =	simm.s32 $0x4;
	_ =	strace $0x80000047;
	[dreg:$0x13] =	wrdreg s16  }
0xb: {  	s30 =	simm.s32 $0x2;
	s6 =	ssub.s32 $0x2, s6;
	[dreg:$0x14] =	wrdreg s17  }
0xc: {  	s31 =	simm.s32 $0x800;
	s21 =	sshrl.u32 s6, $0x1;
	[dreg:$0x15] =	wrdreg s18  }
0xd: {  	s23 =	simm.s32 $0x1400;
	s9 =	sshrl.u32 s3, $0x3;
	[dreg:$0x16] =	wrdreg s19  }
0xe: {  	s11 =	sshll.u32 s3, $0x4;
	s6 =	ssub.s32 s6, s21;
	[dreg:$0x17] =	wrdreg s20  }
0xf: {  	s21 =	simm.s32 $0x9400;
	s5 =	sadd.s32 s5, s9;
	[dreg:$0x18] =	wrdreg s22  }
0x10: {  	s9 =	smul.u32 $0x3400, s9;
	s7 =	sadd.s32 s7, s11;
	[dreg:$0x19] =	wrdreg s23  }
0x11: {  	s6 =	smax.u32 s6, $0x1;
	s10 =	sadd.s32 $0x80, s5;
	[dreg:$0xb] =	wrdreg s7  }
0x12: {  	s16 =	simm.s32 $0x6C00;
	s24 =	sadd.s32 $0x100, s5;
	[dreg:$0x6] =	wrdreg s10  }
0x13: {  	s17 =	simm.s32 $0x7400;
	s25 =	sadd.s32 $0x200, s5;
	[dreg:$0x7] =	wrdreg s24  }
0x14: {  	s18 =	simm.s32 $0x7C00;
	s26 =	sadd.s32 $0x280, s5;
	[dreg:$0x8] =	wrdreg s25  }
0x15: {  	s19 =	simm.s32 $0x8400;
	s0 =	sadd.s32 $0x180, s5;
	[dreg:$0x9] =	wrdreg s26  }
0x16: {  	s20 =	simm.s32 $0x8C00;
	[dreg:$0xa] =	wrdreg s0;
	s24 =	simm.s32 $0x1C00  }
0x17: {  	s9 =	sshrl.u32 s9, $0x3;
	s25 =	simm.s32 $0x2C00;
	[dreg:$0x1a] =	wrdreg s24  }
0x18: {  	v6 =	vlaneseq.u32;
	s26 =	simm.s32 $0x3C00;
	s8 =	sadd.s32 s9, s8;
	[dreg:$0x1b] =	wrdreg s25  }
0x19: {  	v1 =	vmul.u32 $0x80, v6;
	s22 =	simm.s32 $0x9C00;
	[dreg:$0x1c] =	wrdreg s26;
	s9 =	sadd.s32 $0xA00, s8  }
0x1a: {  	v2 =	vor.u32 $0x800, v6;
	v0 =	vmov s3;
	s23 =	simm.s32 $0xA400;
	s10 =	sadd.s32 $0x400, s8;
	[dreg:$0xc] =	wrdreg s9  }
0x1b: {  	v4 =	vor.u32 $0x810, v6;
	v5 =	vor.u32 $0x800, v1;
	v3 =	vshll.u32 v0, $0x7;
	s7 =	simm.s32 $0x1;
	s11 =	sadd.s32 $0x500, s8;
	[dreg:$0xd] =	wrdreg s10  }
0x1c: {  	v0 =	vor.u32 v1, v3;
	v1 =	vor.u32 s3, v2;
	v2 =	vor.u32 s3, v4;
	s3 =	simm.s32 $0x3;
	s12 =	sadd.s32 $0x600, s8;
	[dreg:$0xe] =	wrdreg s11  }
0x1d: {  	s24 =	simm.s32 $0xAC00;
	s13 =	sadd.s32 $0x700, s8;
	[dreg:$0xf] =	wrdreg s12  }
0x1e: {  	s25 =	simm.s32 $0xB400;
	s14 =	sadd.s32 $0x800, s8;
	[dreg:$0x10] =	wrdreg s13  }
0x1f: {  	s26 =	simm.s32 $0xBC00;
	s15 =	sadd.s32 $0x900, s8;
	[dreg:$0x11] =	wrdreg s14  }
0x20: {  	vm0 =	vmmov $0xffff;
	v3 =	vor.u32 v5, v3;
	v5 =	vshrl.u32 v6, $0x3;
	s8 =	simm.s32 $0x400;
	[dreg:$0x12] =	wrdreg s15;
	s9 =	simm.s32 $0x2400  }
0x21: {  	v4 =	vand.u32 $0x7, v6;
	v6 =	vor.u32 $0x8, v6;
	v5 =	vmul.u32 $0x8, v5;
	s10 =	simm.s32 $0x3400;
	s11 =	simm.s32 $0x4400;
	s15 =	simm.s32 $0x6400  }
.LBB2_1:
0x22: {  	s0 =	rddreg [dreg:$0x6]  }
0x23: {  	s12 =	rddreg [dreg:$0x7]  }
0x24: {  	s13 =	rddreg [dreg:$0x13]  }
0x25: {  	s14 =	rddreg [dreg:$0x15]  }
0x26: {  	[tilespmem:s4], [sflag:$0x1] =	stream.linear.gather [hbm4b:s0+s4], $0x20, $0x38;
	[tilespmem:$0xD400] =	vst v63  }
0x27: {  	s0 =	rddreg [dreg:$0x8]  }
0x28: {  	[tilespmem:s13], [sflag:$0x1] =	stream.linear.gather [hbm4b:s12+s4], $0x20, $0x38;
	[tilespmem:$0xD400] =	vst v63  }
0x29: {  	s12 =	rddreg [dreg:$0x14]  }
0x2a: {  	s13 =	rddreg [dreg:$0x9]  }
0x2b: {  	[tilespmem:s12], [sflag:$0x1] =	stream.linear.gather [hbm4b:s0+s4], $0x20, $0x38;
	[tilespmem:$0xD400] =	vst v63  }
0x2c: {  	s12 =	rddreg [dreg:$0x16]  }
0x2d: {  	[tilespmem:s14], [sflag:$0x1] =	stream.linear.gather [hbm4b:s13+s4], $0x20, $0x38;
	[tilespmem:$0xD400] =	vst v63  }
0x2e: {  	s13 =	rddreg [dreg:$0xa]  }
0x2f: {  	[tilespmem:s12], [sflag:$0x1] =	stream.linear.gather [hbm4b:s5+s4], $0x20, $0x38;
	[tilespmem:$0xD400] =	vst v63  }
0x30: {  	s14 =	rddreg [dreg:$0x17]  }
0x31: {  	[tilespmem:s14], [sflag:$0x1] =	stream.linear.gather [hbm4b:s13+s4], $0x20, $0x38;
	[tilespmem:$0xD400] =	vst v63  }
0x32: {  	_ =	swait.ge [sflag:s7], $0x20  }
0x33: {  	[sflag:s7] =	ssyncset.done $0x0  }
0x34: {  	[sflag:s7] =	ssyncadd.s32 $0xFFFFFFE0  }
0x35: {  	_ =	swait.ge [sflag:s7], $0x20  }
0x36: {  	[sflag:s7] =	ssyncset.done $0x0  }
0x37: {  	[sflag:s7] =	ssyncadd.s32 $0xFFFFFFE0  }
0x38: {  	_ =	swait.ge [sflag:s7], $0x20  }
0x39: {  	[sflag:s7] =	ssyncset.done $0x0  }
0x3a: {  	[sflag:s7] =	ssyncadd.s32 $0xFFFFFFE0  }
0x3b: {  	_ =	swait.ge [sflag:s7], $0x20  }
0x3c: {  	[sflag:s7] =	ssyncset.done $0x0  }
0x3d: {  	[sflag:s7] =	ssyncadd.s32 $0xFFFFFFE0  }
0x3e: {  	_ =	swait.ge [sflag:s7], $0x20  }
0x3f: {  	[sflag:s7] =	ssyncset.done $0x0  }
0x40: {  	[sflag:s7] =	ssyncadd.s32 $0xFFFFFFE0  }
0x41: {  	_ =	swait.ge [sflag:s7], $0x20  }
0x42: {  	[sflag:s7] =	ssyncset.done $0x0  }
0x43: {  	[sflag:s7] =	ssyncadd.s32 $0xFFFFFFE0  }
0x44: {  	v7 =	vld [tilespmem:$0x0];
	_ =	sdelay $0x2  }
0x45: {  	v8 =	vld [tilespmem:$0x10]  }
0x46: {  	v9 =	vld [tilespmem:$0x80]  }
0x47: {  	v10 =	vld [tilespmem:$0x90];
	v7 =	vadd.s32 v0, v7  }
0x48: {  	v12 =	vld [tilespmem:$0x110];
	[tilespmem:$0x300] =	vst v7  }
0x49: {  	v11 =	vld [tilespmem:$0x300]  }
0x4a: {  	v7 =	vld [tilespmem:$0x100]  }
0x4b: {  	v13 =	vld [tilespmem:$0x180]  }
0x4c: {  	v14 =	vld [tilespmem:$0x200];
	v8 =	vadd.s32 v3, v8  }
0x4d: {  	v56 =	vld [tilespmem:$0x190];
	[tilespmem:$0x310] =	vst v8;
	v8 =	vadd.s32 v0, v9  }
0x4e: {  	v57 =	vld [tilespmem:$0x210];
	[tilespmem:$0x320] =	vst v8;
	v8 =	vadd.s32 v3, v10;
	v15 =	vshll.u32 v11, $0x1  }
0x4f: {  	[tilespmem:$0x330] =	vst v8;
	v8 =	vld [tilespmem:$0x280];
	v7 =	vadd.s32 v0, v7;
	v11 =	vand.u32 $0x7, v11;
	v15 =	vand.u32 $0xFFFFFFF0, v15  }
0x50: {  	v58 =	vld [tilespmem:$0x290];
	[tilespmem:$0x340] =	vst v7;
	v7 =	vadd.s32 v3, v12;
	v11 =	vor.u32 v11, v15  }
0x51: {  	v59 =	vshll.u32 v14, $0xA;
	[tilespmem:$0x350] =	vst v7;
	v7 =	vadd.s32 v0, v13;
	v60 =	vperm.xlane v11, v4  }
0x52: {  	v61 =	vadd.s32 v1, v59;
	[tilespmem:$0x360] =	vst v7;
	v7 =	vadd.s32 v3, v56  }
0x53: {  	[tilespmem:$0x370] =	vst v7;
	v7 =	vshll.u32 v57, $0xA;
	v11 =	vperm.xlane v11, v6;
	v62 =	vadd.s32 v5, v60  }
0x54: {  	[tilespmem:$0x380] =	vst v61;
	v8 =	vshll.u32 v8, $0xA;
	v7 =	vadd.s32 v2, v7  }
0x55: {  	[tilespmem:$0x390] =	vst v7;
	v7 =	vadd.s32 v1, v8;
	v8 =	vshll.u32 v58, $0xA;
	v63 =	vadd.s32 v5, v11  }
0x56: {  	[tilespmem:$0x3A0] =	vst v7;
	v7 =	vadd.s32 v2, v8  }
0x57: {  	[tilespmem:$0x3B0] =	vst v7  }
0x58: {  	[tilespmem:s8], [sflag:$0x2] =	stream.indirect_vreg.gather [hbm4b:s1+s4], $0x80, v62, vm0, $0xb8;
	[tilespmem:$0xD400] =	vst v63  }
0x59: {  	s12 =	rddreg [dreg:$0x18]  }
0x5a: {  	[tilespmem:s12], [sflag:$0x2] =	stream.indirect_vreg.gather [hbm4b:s1+s4], $0x80, v63, vm0, $0xb8;
	[tilespmem:$0xD400] =	vst v63  }
0x5b: {  	v7 =	vld [tilespmem:$0x310];
	_ =	sdelay $0x4  }
0x5c: {  	v8 =	vshll.u32 v7, $0x1  }
0x5d: {  	v7 =	vand.u32 $0x7, v7;
	v8 =	vand.u32 $0xFFFFFFF0, v8  }
0x5e: {  	v7 =	vor.u32 v7, v8  }
0x5f: {  	v8 =	vperm.xlane v7, v4;
	_ =	sdelay $0x1  }
0x60: {  	v7 =	vperm.xlane v7, v6;
	v8 =	vadd.s32 v5, v8;
	_ =	sdelay $0x1  }
0x61: {  	v7 =	vadd.s32 v5, v7;
	_ =	sdelay $0x1  }
0x62: {  	s13 =	rddreg [dreg:$0x19]  }
0x63: {  	[tilespmem:s13], [sflag:$0x2] =	stream.indirect_vreg.gather [hbm4b:s1+s4], $0x80, v8, vm0, $0xb8;
	[tilespmem:$0xD400] =	vst v63  }
0x64: {  	s14 =	rddreg [dreg:$0x1a]  }
0x65: {  	[tilespmem:s14], [sflag:$0x2] =	stream.indirect_vreg.gather [hbm4b:s1+s4], $0x80, v7, vm0, $0xb8;
	[tilespmem:$0xD400] =	vst v63  }
0x66: {  	v7 =	vld [tilespmem:$0x320];
	_ =	sdelay $0x4  }
0x67: {  	v8 =	vshll.u32 v7, $0x1  }
0x68: {  	v7 =	vand.u32 $0x7, v7;
	v8 =	vand.u32 $0xFFFFFFF0, v8  }
0x69: {  	v7 =	vor.u32 v7, v8  }
0x6a: {  	v8 =	vperm.xlane v7, v4;
	_ =	sdelay $0x1  }
0x6b: {  	v7 =	vperm.xlane v7, v6;
	v8 =	vadd.s32 v5, v8;
	_ =	sdelay $0x1  }
0x6c: {  	v7 =	vadd.s32 v5, v7;
	_ =	sdelay $0x2  }
0x6d: {  	[tilespmem:s9], [sflag:$0x2] =	stream.indirect_vreg.gather [hbm4b:s1+s4], $0x80, v8, vm0, $0xb8;
	[tilespmem:$0xD400] =	vst v63  }
0x6e: {  	s12 =	rddreg [dreg:$0x1b]  }
0x6f: {  	[tilespmem:s12], [sflag:$0x2] =	stream.indirect_vreg.gather [hbm4b:s1+s4], $0x80, v7, vm0, $0xb8;
	[tilespmem:$0xD400] =	vst v63  }
0x70: {  	v7 =	vld [tilespmem:$0x330];
	_ =	sdelay $0x4  }
0x71: {  	v8 =	vshll.u32 v7, $0x1  }
0x72: {  	v7 =	vand.u32 $0x7, v7;
	v8 =	vand.u32 $0xFFFFFFF0, v8  }
0x73: {  	v7 =	vor.u32 v7, v8  }
0x74: {  	v8 =	vperm.xlane v7, v4;
	_ =	sdelay $0x1  }
0x75: {  	v7 =	vperm.xlane v7, v6;
	v8 =	vadd.s32 v5, v8;
	_ =	sdelay $0x1  }
0x76: {  	v7 =	vadd.s32 v5, v7;
	_ =	sdelay $0x2  }
0x77: {  	[tilespmem:s10], [sflag:$0x2] =	stream.indirect_vreg.gather [hbm4b:s1+s4], $0x80, v8, vm0, $0xb8;
	[tilespmem:$0xD400] =	vst v63  }
0x78: {  	s13 =	rddreg [dreg:$0x1c]  }
0x79: {  	[tilespmem:s13], [sflag:$0x2] =	stream.indirect_vreg.gather [hbm4b:s1+s4], $0x80, v7, vm0, $0xb8;
	[tilespmem:$0xD400] =	vst v63  }
0x7a: {  	v7 =	vld [tilespmem:$0x340];
	_ =	sdelay $0x4  }
0x7b: {  	v8 =	vshll.u32 v7, $0x1  }
0x7c: {  	v7 =	vand.u32 $0x7, v7;
	v8 =	vand.u32 $0xFFFFFFF0, v8  }
0x7d: {  	v7 =	vor.u32 v7, v8  }
0x7e: {  	v8 =	vperm.xlane v7, v4;
	_ =	sdelay $0x1  }
0x7f: {  	v7 =	vperm.xlane v7, v6;
	v8 =	vadd.s32 v5, v8;
	_ =	sdelay $0x1  }
0x80: {  	v7 =	vadd.s32 v5, v7;
	_ =	sdelay $0x2  }
0x81: {  	[tilespmem:s11], [sflag:$0x2] =	stream.indirect_vreg.gather [hbm4b:s1+s4], $0x80, v8, vm0, $0xb8;
	[tilespmem:$0xD400] =	vst v63  }
0x82: {  	s14 =	simm.s32 $0x4C00  }
0x83: {  	[tilespmem:s14], [sflag:$0x2] =	stream.indirect_vreg.gather [hbm4b:s1+s4], $0x80, v7, vm0, $0xb8;
	[tilespmem:$0xD400] =	vst v63  }
0x84: {  	v7 =	vld [tilespmem:$0x350];
	_ =	sdelay $0x4  }
0x85: {  	v8 =	vshll.u32 v7, $0x1  }
0x86: {  	v7 =	vand.u32 $0x7, v7;
	v8 =	vand.u32 $0xFFFFFFF0, v8  }
0x87: {  	v7 =	vor.u32 v7, v8  }
0x88: {  	v8 =	vperm.xlane v7, v4;
	_ =	sdelay $0x1  }
0x89: {  	v7 =	vperm.xlane v7, v6;
	v8 =	vadd.s32 v5, v8;
	_ =	sdelay $0x1  }
0x8a: {  	v7 =	vadd.s32 v5, v7;
	_ =	sdelay $0x1  }
0x8b: {  	s12 =	simm.s32 $0x5400  }
0x8c: {  	[tilespmem:s12], [sflag:$0x2] =	stream.indirect_vreg.gather [hbm4b:s1+s4], $0x80, v8, vm0, $0xb8;
	[tilespmem:$0xD400] =	vst v63  }
0x8d: {  	s13 =	simm.s32 $0x5C00  }
0x8e: {  	[tilespmem:s13], [sflag:$0x2] =	stream.indirect_vreg.gather [hbm4b:s1+s4], $0x80, v7, vm0, $0xb8;
	[tilespmem:$0xD400] =	vst v63  }
0x8f: {  	v7 =	vld [tilespmem:$0x360];
	_ =	sdelay $0x4  }
0x90: {  	v8 =	vshll.u32 v7, $0x1  }
0x91: {  	v7 =	vand.u32 $0x7, v7;
	v8 =	vand.u32 $0xFFFFFFF0, v8  }
0x92: {  	v7 =	vor.u32 v7, v8  }
0x93: {  	v8 =	vperm.xlane v7, v4;
	_ =	sdelay $0x1  }
0x94: {  	v7 =	vperm.xlane v7, v6;
	v8 =	vadd.s32 v5, v8;
	_ =	sdelay $0x1  }
0x95: {  	v7 =	vadd.s32 v5, v7;
	_ =	sdelay $0x2  }
0x96: {  	[tilespmem:s15], [sflag:$0x2] =	stream.indirect_vreg.gather [hbm4b:s1+s4], $0x80, v8, vm0, $0xb8;
	[tilespmem:$0xD400] =	vst v63  }
0x97: {  	_ = 	snop  }
0x98: {  	[tilespmem:s16], [sflag:$0x2] =	stream.indirect_vreg.gather [hbm4b:s1+s4], $0x80, v7, vm0, $0xb8;
	[tilespmem:$0xD400] =	vst v63  }
0x99: {  	v7 =	vld [tilespmem:$0x370];
	_ =	sdelay $0x4  }
0x9a: {  	v8 =	vshll.u32 v7, $0x1  }
0x9b: {  	v7 =	vand.u32 $0x7, v7;
	v8 =	vand.u32 $0xFFFFFFF0, v8  }
0x9c: {  	v7 =	vor.u32 v7, v8  }
0x9d: {  	v8 =	vperm.xlane v7, v4;
	_ =	sdelay $0x1  }
0x9e: {  	v7 =	vperm.xlane v7, v6;
	v8 =	vadd.s32 v5, v8;
	_ =	sdelay $0x1  }
0x9f: {  	v7 =	vadd.s32 v5, v7;
	_ =	sdelay $0x2  }
0xa0: {  	[tilespmem:s17], [sflag:$0x2] =	stream.indirect_vreg.gather [hbm4b:s1+s4], $0x80, v8, vm0, $0xb8;
	[tilespmem:$0xD400] =	vst v63  }
0xa1: {  	_ = 	snop  }
0xa2: {  	[tilespmem:s18], [sflag:$0x2] =	stream.indirect_vreg.gather [hbm4b:s1+s4], $0x80, v7, vm0, $0xb8;
	[tilespmem:$0xD400] =	vst v63  }
0xa3: {  	v7 =	vld [tilespmem:$0x380];
	_ =	sdelay $0x4  }
0xa4: {  	v8 =	vshll.u32 v7, $0x1  }
0xa5: {  	v7 =	vand.u32 $0x7, v7;
	v8 =	vand.u32 $0xFFFFFFF0, v8  }
0xa6: {  	v7 =	vor.u32 v7, v8  }
0xa7: {  	v8 =	vperm.xlane v7, v4;
	_ =	sdelay $0x1  }
0xa8: {  	v7 =	vperm.xlane v7, v6;
	v8 =	vadd.s32 v5, v8;
	_ =	sdelay $0x1  }
0xa9: {  	v7 =	vadd.s32 v5, v7;
	_ =	sdelay $0x2  }
0xaa: {  	[tilespmem:s19], [sflag:$0x2] =	stream.indirect_vreg.gather [hbm4b:s2+s4], $0x80, v8, vm0, $0xb8;
	[tilespmem:$0xD400] =	vst v63  }
0xab: {  	_ = 	snop  }
0xac: {  	[tilespmem:s20], [sflag:$0x2] =	stream.indirect_vreg.gather [hbm4b:s2+s4], $0x80, v7, vm0, $0xb8;
	[tilespmem:$0xD400] =	vst v63  }
0xad: {  	v7 =	vld [tilespmem:$0x390];
	_ =	sdelay $0x4  }
0xae: {  	v8 =	vshll.u32 v7, $0x1  }
0xaf: {  	v7 =	vand.u32 $0x7, v7;
	v8 =	vand.u32 $0xFFFFFFF0, v8  }
0xb0: {  	v7 =	vor.u32 v7, v8  }
0xb1: {  	v8 =	vperm.xlane v7, v4;
	_ =	sdelay $0x1  }
0xb2: {  	v7 =	vperm.xlane v7, v6;
	v8 =	vadd.s32 v5, v8;
	_ =	sdelay $0x1  }
0xb3: {  	v7 =	vadd.s32 v5, v7;
	_ =	sdelay $0x2  }
0xb4: {  	[tilespmem:s21], [sflag:$0x2] =	stream.indirect_vreg.gather [hbm4b:s2+s4], $0x80, v8, vm0, $0xb8;
	[tilespmem:$0xD400] =	vst v63  }
0xb5: {  	_ = 	snop  }
0xb6: {  	[tilespmem:s22], [sflag:$0x2] =	stream.indirect_vreg.gather [hbm4b:s2+s4], $0x80, v7, vm0, $0xb8;
	[tilespmem:$0xD400] =	vst v63  }
0xb7: {  	v7 =	vld [tilespmem:$0x3A0];
	_ =	sdelay $0x4  }
0xb8: {  	v8 =	vshll.u32 v7, $0x1  }
0xb9: {  	v7 =	vand.u32 $0x7, v7;
	v8 =	vand.u32 $0xFFFFFFF0, v8  }
0xba: {  	v7 =	vor.u32 v7, v8  }
0xbb: {  	v8 =	vperm.xlane v7, v4;
	_ =	sdelay $0x1  }
0xbc: {  	v7 =	vperm.xlane v7, v6;
	v8 =	vadd.s32 v5, v8;
	_ =	sdelay $0x1  }
0xbd: {  	v7 =	vadd.s32 v5, v7;
	_ =	sdelay $0x2  }
0xbe: {  	[tilespmem:s23], [sflag:$0x2] =	stream.indirect_vreg.gather [hbm4b:s2+s4], $0x80, v8, vm0, $0xb8;
	[tilespmem:$0xD400] =	vst v63  }
0xbf: {  	_ = 	snop  }
0xc0: {  	[tilespmem:s24], [sflag:$0x2] =	stream.indirect_vreg.gather [hbm4b:s2+s4], $0x80, v7, vm0, $0xb8;
	[tilespmem:$0xD400] =	vst v63  }
0xc1: {  	v7 =	vld [tilespmem:$0x3B0];
	_ =	sdelay $0x4  }
0xc2: {  	v8 =	vshll.u32 v7, $0x1  }
0xc3: {  	v7 =	vand.u32 $0x7, v7;
	v8 =	vand.u32 $0xFFFFFFF0, v8  }
0xc4: {  	v7 =	vor.u32 v7, v8  }
0xc5: {  	v8 =	vperm.xlane v7, v4;
	_ =	sdelay $0x1  }
0xc6: {  	v7 =	vperm.xlane v7, v6;
	v8 =	vadd.s32 v5, v8;
	_ =	sdelay $0x1  }
0xc7: {  	v7 =	vadd.s32 v5, v7;
	_ =	sdelay $0x2  }
0xc8: {  	[tilespmem:s25], [sflag:$0x2] =	stream.indirect_vreg.gather [hbm4b:s2+s4], $0x80, v8, vm0, $0xb8;
	[tilespmem:$0xD400] =	vst v63  }
0xc9: {  	_ = 	snop  }
0xca: {  	[tilespmem:s26], [sflag:$0x2] =	stream.indirect_vreg.gather [hbm4b:s2+s4], $0x80, v7, vm0, $0xb8;
	[tilespmem:$0xD400] =	vst v63  }
0xcb: {  	s14 =	rddreg [dreg:$0xb]  }
0xcc: {  	[tilespmem:s28], [sflag:$0x4] =	stream.linear.gather [hbm4b:s14+s4], $0x1000, $0x38;
	[tilespmem:$0xD400] =	vst v63  }
0xcd: {  	_ =	swait.ge [sflag:s29], $0x1000  }
0xce: {  	[sflag:s29] =	ssyncset.done $0x0  }
0xcf: {  	s12 =	rddreg [dreg:$0xc];
	[sflag:s29] =	ssyncadd.s32 $0xFFFFF000  }
0xd0: {  	[hbm4b:s12+s8] =	stream.strided.scatter [tilespmem:s28], [sflag:$0x4], $0x1000, s10, s8, $0x38;
	[tilespmem:$0xD400] =	vst v63  }
0xd1: {  	_ =	swait.ge [sflag:s29], $0x1000  }
0xd2: {  	[sflag:s29] =	ssyncset.done $0x0  }
0xd3: {  	[sflag:s29] =	ssyncadd.s32 $0xFFFFF000  }
0xd4: {  	_ =	swait.ge [sflag:s30], $0x8000  }
0xd5: {  	[sflag:s30] =	ssyncset.done $0x0  }
0xd6: {  	s13 =	rddreg [dreg:$0xd];
	[sflag:s30] =	ssyncadd.s32 $0xFFFF8000  }
0xd7: {  	[hbm4b:s13+s31] =	stream.strided.scatter [tilespmem:s8], [sflag:$0x3], $0x2000, s10, s31, $0x38;
	[tilespmem:$0xD400] =	vst v63  }
0xd8: {  	s14 =	rddreg [dreg:$0xe]  }
0xd9: {  	[hbm4b:s14+s31] =	stream.strided.scatter [tilespmem:s9], [sflag:$0x3], $0x2000, s10, s31, $0x38;
	[tilespmem:$0xD400] =	vst v63  }
0xda: {  	s13 =	rddreg [dreg:$0xf]  }
0xdb: {  	[hbm4b:s13+s31] =	stream.strided.scatter [tilespmem:s11], [sflag:$0x3], $0x2000, s10, s31, $0x38;
	[tilespmem:$0xD400] =	vst v63  }
0xdc: {  	s14 =	rddreg [dreg:$0x10]  }
0xdd: {  	[hbm4b:s14+s31] =	stream.strided.scatter [tilespmem:s15], [sflag:$0x3], $0x2000, s10, s31, $0x38;
	[tilespmem:$0xD400] =	vst v63  }
0xde: {  	_ =	swait.ge [sflag:s30], $0x4000  }
0xdf: {  	[sflag:s30] =	ssyncset.done $0x0  }
0xe0: {  	s13 =	rddreg [dreg:$0x11];
	[sflag:s30] =	ssyncadd.s32 $0xFFFFC000  }
0xe1: {  	[hbm4b:s13+s31] =	stream.strided.scatter [tilespmem:s19], [sflag:$0x3], $0x2000, s10, s31, $0x38;
	[tilespmem:$0xD400] =	vst v63  }
0xe2: {  	s14 =	rddreg [dreg:$0x12]  }
0xe3: {  	[hbm4b:s14+s31] =	stream.strided.scatter [tilespmem:s23], [sflag:$0x3], $0x2000, s10, s31, $0x38;
	[tilespmem:$0xD400] =	vst v63  }
0xe4: {  	_ =	swait.ge [sflag:s3], $0x2000  }
0xe5: {  	[sflag:s3] =	ssyncset.done $0x0  }
0xe6: {  	[sflag:s3] =	ssyncadd.s32 $0xFFFFE000  }
0xe7: {  	_ =	swait.ge [sflag:s3], $0x2000  }
0xe8: {  	[sflag:s3] =	ssyncset.done $0x0  }
0xe9: {  	[sflag:s3] =	ssyncadd.s32 $0xFFFFE000  }
0xea: {  	_ =	swait.ge [sflag:s3], $0x2000  }
0xeb: {  	[sflag:s3] =	ssyncset.done $0x0  }
0xec: {  	[sflag:s3] =	ssyncadd.s32 $0xFFFFE000  }
0xed: {  	_ =	swait.ge [sflag:s3], $0x2000  }
0xee: {  	[sflag:s3] =	ssyncset.done $0x0  }
0xef: {  	[sflag:s3] =	ssyncadd.s32 $0xFFFFE000  }
0xf0: {  	p0 =	sne.s32 s6, $0x1;
	_ =	swait.ge [sflag:s3], $0x2000  }
.Ltmp0:
0xf1: {  	[sflag:s3] =	ssyncset.done $0x0;
	(pc) =	sbr.rel @p0 .LBB2_1-.Ltmp0, $4  }
0xf2: {  	[sflag:s3] =	ssyncadd.s32 $0xFFFFE000  }
0xf3: {  	_ =	swait.ge [sflag:s3], $0x2000  }
0xf4: {  	[sflag:s3] =	ssyncset.done $0x0  }
0xf5: {  	s6 =	sadd.s32 $0xFFFFFFFF, s6;
	[sflag:s3] =	ssyncadd.s32 $0xFFFFE000  }
0xf6: {  	_ =	sfence.sel $0x180000  }
0xf7: {  	[bflag:$0x0] =	sbarrier.arrive $0xFFFF  }
0xf8: {  	_ =	strace $0x90000047  }
0xf9: {  	s0 =	stileid.u32;
	[bflag:$0x2] =	sbarrier.arrive $0xFFFF  }
0xfa: {  	p0 =	sne.s32 s0, $0x0;
	s0 =	rddreg [dreg:$0x5]  }
0xfb: {  	s0 =	sadd.s32 @!p0 $0x100000, s0  }
0xfc: {  	[sflag:s0] =	ssyncadd.tile.s32 @!p0 $0x1;
	_ =	shalt  }
.Lfunc_end2:
_tile_overlayer_lowered:
.L_overlay_start_2:
0xfd: {  	(tag) =	ssettag $0x2  }
0xfe: {  	s0 =	rddreg [dreg:$0x0];
	s2 =	stileid.u32  }
0xff: {  	s1 =	rddreg [dreg:$0x1];
	p0 =	sne.s32 s2, $0x0  }
0x100: {  	s3 =	rddreg [dreg:$0x2];
	[bflag:$0x3] =	sbarrier.arrive $0xFFFF;
	s2 =	simm.s32 @!p0 $0x1C04  }
0x101: {  	[timem:s3], [sflag:s2] =	dma.local @!p0 [hbm:s0], s1  }
0x102: {  	s0 =	simm.s32 @!p0 $0x4  }
0x103: {  	_ =	swait.ge @!p0 [sflag:s0], s1  }
0x104: {  	s1 =	ssub.s32 @!p0 $0x0, s1;
	[sflag:s0] =	ssyncset.done @!p0 $0x0  }
0x105: {  	[sflag:s0] =	ssyncadd.s32 @!p0 s1  }
0x106: {  	[bflag:$0x3] =	sbarrier.arrive $0xFFFF  }
0x107: {  	_ =	shalt  }

</sc_bundles>
